<compile_context>
chip_gen: v7x
topology: tpu7x:2x2x1
jax: 0.10.2.dev20260603
libtpu: 0.0.44.dev20260713+nightly
codegen_flags: <defaults>
</compile_context>

<pallas_src>
import functools

import jax
import jax.numpy as jnp
from jax import lax
from jax.experimental import pallas as pl
from jax.experimental.pallas import tpu as pltpu
from jax.experimental.pallas import tpu_sc as plsc

_B = 1024
_I = 100000
_TP1 = 50
_NN = 3
_NPR = _TP1 + _TP1 * _NN
_TOTAL = _B * _NPR
_NC, _NS = 2, 16
_NW = _NC * _NS
_PER_W = _TOTAL // _NW
_NVEC = _PER_W // 16
_WP = 1.0 / (_B * _TP1)
_WN = 1.0 / (_B * _TP1 * _NN)


def _log1p_series(u):
    z = u / (2.0 + u)
    z2 = z * z
    p = 1.0 / 13.0
    for c in (11.0, 9.0, 7.0, 5.0, 3.0):
        p = p * z2 + 1.0 / c
    p = p * z2 + 1.0
    return 2.0 * z * p


def _loss_body(yh_hbm, idx_hbm, out_hbm, idx_v, vals_v, acc_v, sem):
    wid = lax.axis_index("s") * _NC + lax.axis_index("c")
    base = wid * _PER_W
    pltpu.sync_copy(idx_hbm.at[pl.ds(base, _PER_W)], idx_v)
    pltpu.async_copy(yh_hbm.at[idx_v], vals_v, sem).wait()

    lane = lax.iota(jnp.int32, 16)

    def _acc(j, acc):
        x = vals_v[pl.ds(j * 16, 16)]
        pos = ((base + j * 16 + lane) % _NPR) < _TP1
        sgn = jnp.where(pos, -1.0, 1.0)
        w = jnp.where(pos, _WP, _WN)
        t = _log1p_series(jnp.exp(-jnp.abs(x)))
        elem = jnp.maximum(sgn * x, 0.0) + t
        return acc + w * elem

    acc = lax.fori_loop(0, _NVEC, _acc, jnp.zeros((16,), jnp.float32),
                        unroll=False)
    acc_v[...] = acc
    pltpu.sync_copy(acc_v, out_hbm.at[pl.ds(wid * 16, 16)])


@functools.cache
def _sc_loss():
    return pl.kernel(
        _loss_body,
        out_type=jax.ShapeDtypeStruct((_NW * 16,), jnp.float32),
        mesh=plsc.VectorSubcoreMesh(core_axis_name="c", subcore_axis_name="s",
                                    num_cores=_NC, num_subcores=_NS),
        scratch_types=[
            pltpu.VMEM((_PER_W,), jnp.int32),
            pltpu.VMEM((_PER_W,), jnp.float32),
            pltpu.VMEM((16,), jnp.float32),
            pltpu.SemaphoreType.DMA,
        ],
    )


def kernel(y_hat, y_pos, y_neg):
    idx = jnp.concatenate([y_pos, y_neg.reshape(_B, _TP1 * _NN)], axis=1)
    gidx = (idx + jnp.arange(_B, dtype=jnp.int32)[:, None] * 102400).reshape(-1)
    flat = jnp.pad(y_hat, ((0, 0), (0, 2400))).reshape(-1)
    partials = _sc_loss()(flat, gidx)
    return jnp.sum(partials)

# --- scband reference (transcript-rebuilt; emitter-appended) ---
"""Pipeline reference for scband-caser-criterion-59700045414685 (READ-ONLY COPY).

The authoritative reference and input builder live on the scoring server;
editing this copy changes nothing except your own understanding.
"""

import jax, jax.numpy as jnp
import numpy as np

B = 1024
I = 100000
TP1 = 50
NN = 3


def setup_inputs(seed: int = 0) -> dict:
    key = jax.random.key(seed)
    k1, k2, k3 = jax.random.split(key, 3)
    y_hat = jax.random.normal(k1, (B, I), dtype=jnp.float32)
    y_pos = jax.random.randint(k2, (B, TP1), 0, I, dtype=jnp.int32)
    y_neg = jax.random.randint(k3, (B, TP1, NN), 0, I, dtype=jnp.int32)
    return {"y_hat": y_hat, "y_pos": y_pos, "y_neg": y_neg}


def _bce_with_logits(logits, targets):
    # Numerically stable BCEWithLogits, reduction='none':
    # max(x,0) - x*z + log(1+exp(-|x|))
    return jnp.maximum(logits, 0.0) - logits * targets + jnp.log1p(jnp.exp(-jnp.abs(logits)))


def reference(y_hat, y_pos, y_neg):
    pos_scores = jnp.take_along_axis(y_hat, y_pos, axis=1)
    neg_scores = jnp.take_along_axis(
        y_hat, y_neg.reshape(y_neg.shape[0], -1), axis=1
    ).reshape(y_neg.shape)
    pos_loss = _bce_with_logits(pos_scores, jnp.ones_like(pos_scores))
    neg_loss = _bce_with_logits(neg_scores, jnp.zeros_like(neg_scores))
    # normalize_loss=True -> mean over negative-sample dim
    neg_loss = neg_loss.mean(axis=2)
    loss = pos_loss.mean() + neg_loss.mean()
    return loss

if __name__ == "__main__":
    import jax
    _d = setup_inputs()
    print(jax.jit(kernel)(*tuple(_d.values())))

</pallas_src>

<mosaic_0001>
#map = affine_map<(d0, d1) -> (0)>
module attributes {stable_mosaic.version = 14 : i64} {
  func.func @_loss_body(%arg0: i32, %arg1: i32, %arg2: memref<104857600xf32, #tpu.memory_space<hbm>>, %arg3: memref<204800xi32, #tpu.memory_space<hbm>>, %arg4: memref<512xf32, #tpu.memory_space<hbm>>, %arg5: memref<6400xi32, #tpu.memory_space<vmem>>, %arg6: memref<6400xf32, #tpu.memory_space<vmem>>, %arg7: memref<16xf32, #tpu.memory_space<vmem>>, %arg8: memref<!tpu.dma_semaphore, #tpu.memory_space<semaphore_mem>>) attributes {dimension_semantics = [#tpu.dimension_semantics<core_parallel>, #tpu.dimension_semantics<subcore_parallel>], iteration_bounds = array<i64: 2, 16>, scalar_prefetch = 0 : i64, scratch_operands = 4 : i64, tpu.core_type = #tpu.core_type<sc_vector_subcore>, window_params = [{transform_indices = #map}, {transform_indices = #map}, {transform_indices = #map}]} {
    %mul3A = arith.constant 2 : i32
    %mul3A_0 = arith.muli %arg1, %mul3A : i32
    %add3A = arith.addi %mul3A_0, %arg0 : i32
    %mul3A_1 = arith.constant 6400 : i32
    %mul3A_2 = arith.muli %add3A, %mul3A_1 : i32
    "tpu.region"() ({
      %run_scoped3A = tpu.sem_alloc : memref<!tpu.dma_semaphore, #tpu.memory_space<semaphore_mem>>
      %dma_start3A_16 = tpu.memref_slice %arg3[%mul3A_2] : memref<204800xi32, #tpu.memory_space<hbm>> -> memref<6400xi32, #tpu.memory_space<hbm>>
      %dma_start3A_17 = tpu.memref_slice %arg3[%mul3A_2] : memref<204800xi32, #tpu.memory_space<hbm>> -> memref<6400xi32, #tpu.memory_space<hbm>>
      tpu.enqueue_dma source(%dma_start3A_17 : memref<6400xi32, #tpu.memory_space<hbm>>) target(%arg5 : memref<6400xi32, #tpu.memory_space<vmem>>) target_semaphore(%run_scoped3A : memref<!tpu.dma_semaphore, #tpu.memory_space<semaphore_mem>>)
      %dma_wait3A_18 = tpu.memref_slice %arg3[%mul3A_2] : memref<204800xi32, #tpu.memory_space<hbm>> -> memref<6400xi32, #tpu.memory_space<hbm>>
      %dma_wait3A_19 = tpu.memref_slice %arg3[%mul3A_2] : memref<204800xi32, #tpu.memory_space<hbm>> -> memref<6400xi32, #tpu.memory_space<hbm>>
      tpu.wait_dma2 semaphore(%run_scoped3A : memref<!tpu.dma_semaphore, #tpu.memory_space<semaphore_mem>>) src(%dma_wait3A_19 : memref<6400xi32, #tpu.memory_space<hbm>>) dst(%arg5 : memref<6400xi32, #tpu.memory_space<vmem>>)
      tpu.yield
    }) : () -> ()
    %dma_start3A = arith.constant 0 : i32
    %dma_start3A_3 = tpu.memref_slice %arg2[%dma_start3A] : memref<104857600xf32, #tpu.memory_space<hbm>> -> memref<104857600xf32, #tpu.memory_space<hbm>>
    tpu.enqueue_indirect_dma source(%dma_start3A_3 : memref<104857600xf32, #tpu.memory_space<hbm>>) target(%arg6 : memref<6400xf32, #tpu.memory_space<vmem>>) offsets(%arg5 : memref<6400xi32, #tpu.memory_space<vmem>>) semaphore(%arg8 : memref<!tpu.dma_semaphore, #tpu.memory_space<semaphore_mem>>)
    %dma_wait3A = arith.constant 0 : i32
    %dma_wait3A_4 = tpu.memref_slice %arg2[%dma_wait3A] : memref<104857600xf32, #tpu.memory_space<hbm>> -> memref<104857600xf32, #tpu.memory_space<hbm>>
    tpu.wait_indirect_dma semaphore(%arg8 : memref<!tpu.dma_semaphore, #tpu.memory_space<semaphore_mem>>) src(%dma_wait3A_4 : memref<104857600xf32, #tpu.memory_space<hbm>>) dst(%arg6 : memref<6400xf32, #tpu.memory_space<vmem>>)
    %iota3A = tpu.iota {dimensions = array<i32: 0>} : vector<16xi32>
    %broadcast_in_dim3A = arith.constant 0.000000e+00 : f32
    %broadcast_in_dim3A_5 = vector.broadcast %broadcast_in_dim3A : f32 to vector<16xf32>
    %scan3A = arith.constant 0 : i32
    %scan3A_6 = arith.constant 400 : i32
    %scan3A_7 = arith.addi %scan3A, %scan3A_6 : i32
    %scan3A_8 = arith.constant 1 : i32
    %scan3A_9 = scf.for %scan3A_16 = %scan3A to %scan3A_7 step %scan3A_8 iter_args(%scan3A_17 = %broadcast_in_dim3A_5) -> (vector<16xf32>)  : i32 {
      %mul3A_18 = arith.constant 16 : i32
      %mul3A_19 = arith.muli %scan3A_16, %mul3A_18 : i32
      %get3A = arith.index_cast %mul3A_19 : i32 to index
      %get3A_20 = tpu.vector_load %arg6[%get3A] {strides = array<i32>} : memref<6400xf32, #tpu.memory_space<vmem>>, vector<16xf32>,
      %get3A_21 = vector.shape_cast %get3A_20 : vector<16xf32> to vector<16xf32>
      %mul3A_22 = arith.constant 16 : i32
      %mul3A_23 = arith.muli %scan3A_16, %mul3A_22 : i32
      %add3A_24 = arith.addi %mul3A_2, %mul3A_23 : i32
      %add3A_25 = vector.broadcast %add3A_24 : i32 to vector<16xi32>
      %add3A_26 = arith.addi %add3A_25, %iota3A : vector<16xi32>
      %jit3A = arith.constant 200 : i32
      %eq3A = arith.constant 0 : i32
      %eq3A_27 = arith.cmpi eq, %jit3A, %eq3A : i32
      %jit3A_28 = arith.constant 1 : i32
      %select_n3A = arith.select %eq3A_27, %jit3A_28, %jit3A : i32
      %rem3A = vector.broadcast %select_n3A : i32 to vector<16xi32>
      %rem3A_29 = arith.remsi %add3A_26, %rem3A : vector<16xi32>
      %ne3A = arith.constant 0 : i32
      %ne3A_30 = vector.broadcast %ne3A : i32 to vector<16xi32>
      %ne3A_31 = arith.cmpi ne, %rem3A_29, %ne3A_30 : vector<16xi32>
      %lt3A = arith.constant 0 : i32
      %lt3A_32 = vector.broadcast %lt3A : i32 to vector<16xi32>
      %lt3A_33 = arith.cmpi slt, %rem3A_29, %lt3A_32 : vector<16xi32>
      %lt3A_34 = arith.constant 0 : i32
      %lt3A_35 = arith.cmpi slt, %select_n3A, %lt3A_34 : i32
      %ne3A_36 = vector.broadcast %lt3A_35 : i1 to vector<16xi1>
      %ne3A_37 = vector.broadcast %ne3A_36 : vector<16xi1> to vector<16xi1>
      %ne3A_38 = arith.xori %lt3A_33, %ne3A_37 : vector<16xi1>
      %and3A = arith.andi %ne3A_38, %ne3A_31 : vector<16xi1>
      %add3A_39 = vector.broadcast %select_n3A : i32 to vector<16xi32>
      %add3A_40 = arith.addi %rem3A_29, %add3A_39 : vector<16xi32>
      %select_n3A_41 = arith.select %and3A, %add3A_40, %rem3A_29 : vector<16xi1>, vector<16xi32>
      %lt3A_42 = arith.constant 50 : i32
      %lt3A_43 = vector.broadcast %lt3A_42 : i32 to vector<16xi32>
      %lt3A_44 = arith.cmpi slt, %select_n3A_41, %lt3A_43 : vector<16xi32>
      %jit3A_45 = arith.constant -1.000000e+00 : f32
      %jit3A_46 = arith.constant 1.000000e+00 : f32
      %broadcast_in_dim3A_47 = vector.broadcast %jit3A_45 : f32 to vector<16xf32>
      %broadcast_in_dim3A_48 = vector.broadcast %jit3A_46 : f32 to vector<16xf32>
      %select_n3A_49 = arith.select %lt3A_44, %broadcast_in_dim3A_47, %broadcast_in_dim3A_48 : vector<16xi1>, vector<16xf32>
      %jit3A_50 = arith.constant 1.95312496E-5 : f32
      %jit3A_51 = arith.constant 6.51041682E-6 : f32
      %broadcast_in_dim3A_52 = vector.broadcast %jit3A_50 : f32 to vector<16xf32>
      %broadcast_in_dim3A_53 = vector.broadcast %jit3A_51 : f32 to vector<16xf32>
      %select_n3A_54 = arith.select %lt3A_44, %broadcast_in_dim3A_52, %broadcast_in_dim3A_53 : vector<16xi1>, vector<16xf32>
      %abs3A = math.absf %get3A_21 : vector<16xf32>
      %neg3A = arith.constant 0.000000e+00 : f32
      %neg3A_55 = vector.broadcast %neg3A : f32 to vector<16xf32>
      %neg3A_56 = arith.subf %neg3A_55, %abs3A : vector<16xf32>
      %exp3A = math.exp %neg3A_56 : vector<16xf32>
      %add3A_57 = arith.constant 2.000000e+00 : f32
      %add3A_58 = vector.broadcast %add3A_57 : f32 to vector<16xf32>
      %add3A_59 = arith.addf %add3A_58, %exp3A : vector<16xf32>
      %div3A = arith.divf %exp3A, %add3A_59 : vector<16xf32>
      %mul3A_60 = arith.mulf %div3A, %div3A : vector<16xf32>
      %mul3A_61 = arith.constant 0.0769230798 : f32
      %mul3A_62 = vector.broadcast %mul3A_61 : f32 to vector<16xf32>
      %mul3A_63 = arith.mulf %mul3A_62, %mul3A_60 : vector<16xf32>
      %add3A_64 = arith.constant 0.0909090936 : f32
      %add3A_65 = vector.broadcast %add3A_64 : f32 to vector<16xf32>
      %add3A_66 = arith.addf %mul3A_63, %add3A_65 : vector<16xf32>
      %mul3A_67 = arith.mulf %add3A_66, %mul3A_60 : vector<16xf32>
      %add3A_68 = arith.constant 0.111111112 : f32
      %add3A_69 = vector.broadcast %add3A_68 : f32 to vector<16xf32>
      %add3A_70 = arith.addf %mul3A_67, %add3A_69 : vector<16xf32>
      %mul3A_71 = arith.mulf %add3A_70, %mul3A_60 : vector<16xf32>
      %add3A_72 = arith.constant 0.142857149 : f32
      %add3A_73 = vector.broadcast %add3A_72 : f32 to vector<16xf32>
      %add3A_74 = arith.addf %mul3A_71, %add3A_73 : vector<16xf32>
      %mul3A_75 = arith.mulf %add3A_74, %mul3A_60 : vector<16xf32>
      %add3A_76 = arith.constant 2.000000e-01 : f32
      %add3A_77 = vector.broadcast %add3A_76 : f32 to vector<16xf32>
      %add3A_78 = arith.addf %mul3A_75, %add3A_77 : vector<16xf32>
      %mul3A_79 = arith.mulf %add3A_78, %mul3A_60 : vector<16xf32>
      %add3A_80 = arith.constant 0.333333343 : f32
      %add3A_81 = vector.broadcast %add3A_80 : f32 to vector<16xf32>
      %add3A_82 = arith.addf %mul3A_79, %add3A_81 : vector<16xf32>
      %mul3A_83 = arith.mulf %add3A_82, %mul3A_60 : vector<16xf32>
      %add3A_84 = arith.constant 1.000000e+00 : f32
      %add3A_85 = vector.broadcast %add3A_84 : f32 to vector<16xf32>
      %add3A_86 = arith.addf %mul3A_83, %add3A_85 : vector<16xf32>
      %mul3A_87 = arith.constant 2.000000e+00 : f32
      %mul3A_88 = vector.broadcast %mul3A_87 : f32 to vector<16xf32>
      %mul3A_89 = arith.mulf %mul3A_88, %div3A : vector<16xf32>
      %mul3A_90 = arith.mulf %mul3A_89, %add3A_86 : vector<16xf32>
      %mul3A_91 = arith.mulf %select_n3A_49, %get3A_21 : vector<16xf32>
      %max3A = arith.constant 0.000000e+00 : f32
      %max3A_92 = vector.broadcast %max3A : f32 to vector<16xf32>
      %max3A_93 = arith.maximumf %mul3A_91, %max3A_92 : vector<16xf32>
      %add3A_94 = arith.addf %max3A_93, %mul3A_90 : vector<16xf32>
      %mul3A_95 = arith.mulf %select_n3A_54, %add3A_94 : vector<16xf32>
      %add3A_96 = arith.addf %scan3A_17, %mul3A_95 : vector<16xf32>
      scf.yield %add3A_96 : vector<16xf32>
    }
    %scan3A_10 = arith.constant 400 : i32
    %swap3A = arith.constant 0 : index
    %swap3A_11 = tpu.vector_load %arg7[%swap3A] {strides = array<i32>} : memref<16xf32, #tpu.memory_space<vmem>>, vector<16xf32>,
    %swap3A_12 = vector.shape_cast %swap3A_11 : vector<16xf32> to vector<16xf32>
    %swap3A_13 = vector.shape_cast %scan3A_9 : vector<16xf32> to vector<16xf32>
    tpu.vector_store %arg7[%swap3A], %swap3A_13 {strides = array<i32>} : memref<16xf32, #tpu.memory_space<vmem>>, vector<16xf32>,
    %mul3A_14 = arith.constant 16 : i32
    %mul3A_15 = arith.muli %add3A, %mul3A_14 : i32
    "tpu.region"() ({
      %run_scoped3A = tpu.sem_alloc : memref<!tpu.dma_semaphore, #tpu.memory_space<semaphore_mem>>
      %dma_start3A_16 = tpu.memref_slice %arg4[%mul3A_15] : memref<512xf32, #tpu.memory_space<hbm>> -> memref<16xf32, #tpu.memory_space<hbm>>
      %dma_start3A_17 = tpu.memref_slice %arg4[%mul3A_15] : memref<512xf32, #tpu.memory_space<hbm>> -> memref<16xf32, #tpu.memory_space<hbm>>
      tpu.enqueue_dma source(%arg7 : memref<16xf32, #tpu.memory_space<vmem>>) target(%dma_start3A_17 : memref<16xf32, #tpu.memory_space<hbm>>) target_semaphore(%run_scoped3A : memref<!tpu.dma_semaphore, #tpu.memory_space<semaphore_mem>>)
      %dma_wait3A_18 = tpu.memref_slice %arg4[%mul3A_15] : memref<512xf32, #tpu.memory_space<hbm>> -> memref<16xf32, #tpu.memory_space<hbm>>
      %dma_wait3A_19 = tpu.memref_slice %arg4[%mul3A_15] : memref<512xf32, #tpu.memory_space<hbm>> -> memref<16xf32, #tpu.memory_space<hbm>>
      tpu.wait_dma2 semaphore(%run_scoped3A : memref<!tpu.dma_semaphore, #tpu.memory_space<semaphore_mem>>) src(%arg7 : memref<16xf32, #tpu.memory_space<vmem>>) dst(%dma_wait3A_19 : memref<16xf32, #tpu.memory_space<hbm>>)
      tpu.yield
    }) : () -> ()
    return
  }
}

</mosaic_0001>

<sc_bundles>
// kernel: kernel.3.cloned.1.call-start
scs
__scs_entry_jumppad:
0x0: {  	(pc) =	sbr.rel $0x88, $3  }
0x1: {  	(tag) =	ssettag $0x0;
	lr =	simm.s32 $0x1  }
0x2: {  	[smem:$0x3F9E] =	sst lr;
	_ =	strace $0xD0000000  }
0x3: {  	_ = 	snop  }
0x4: {  	_ = 	snop  }
0x5: {  	_ = 	snop  }
0x6: {  	_ = 	snop  }
0x7: {  	_ = 	snop  }
__scs_overlays_trampoline_lowered:
0x8: {  	[smem:$0x3FAD] =	sst s0  }
0x9: {  	[smem:$0x3FAE] =	sst s1  }
0xa: {  	[smem:$0x3FAF] =	sst s2  }
0xb: {  	[smem:$0x3FB0] =	sst s3  }
0xc: {  	[smem:$0x3FB1] =	sst s4  }
0xd: {  	[smem:$0x3FB2] =	sst s5  }
0xe: {  	[smem:$0x3FB3] =	sst s6  }
0xf: {  	[smem:$0x3FB4] =	sst s7  }
0x10: {  	[smem:$0x3FB5] =	sst s8  }
0x11: {  	[smem:$0x3FB6] =	sst s9;
	s0 =	simm.s32 @!p0 $0x0  }
0x12: {  	s1 =	sld [smem:$0x3F9C];
	s0 =	simm.s32 @p0 $0x1  }
0x13: {  	[smem:$0x3FB7] =	sst s0;
	s0 =	simm.s32 @!p1 $0x0  }
0x14: {  	s2 =	sld [smem:$0x3F9B];
	s0 =	simm.s32 @p1 $0x1  }
0x15: {  	[smem:$0x3FB8] =	sst s0;
	s0 =	simm.s32 @!p2 $0x0  }
0x16: {  	s3 =	sld [smem:$0x3FDB];
	s0 =	simm.s32 @p2 $0x1  }
0x17: {  	s4 =	simm.s32 $0x1BF5;
	[smem:$0x3FBA] =	sst s0  }
0x18: {  	s0 =	sld [smem:$0x3F9D];
	_ =	swait.ge [sflag:s4], $0x0  }
0x19: {  	s7 =	sld [smem:$0x3F9E]  }
0x1a: {  	s8 =	sadd.s32 $0xFFFFE003, lr  }
0x1b: {  	s9 =	sadd.s32 $0xFFFFFEF7, lr;
	s5 =	simm.s32 $0xFFFFFFFF;
	p2 =	slt.u32 s8, $0xFFFFF086  }
0x1c: {  	p1 =	slt.u32 s9, $0xF7A;
	s5 =	simm.s32 @!p2 $0x0  }
0x1d: {  	s5 =	simm.s32 @p1 $0x1;
	p0 =	seq.s32 s7, s2  }
0x1e: {  	s7 =	smul.u32 @!p0 $0xF7A, s2;
	p2 =	seq.s32 @!p0 s5, $0x0  }
0x1f: {  	s9 =	smul.u32 $0xF7A, s1;
	s8 =	simm.s32 @!p0 $0x1BF5;
	p2 =	por !p2, p0  }
0x20: {  	[sflag:s8] =	ssyncset.s32 @!p0 $0xFFFFF086;
	s6 =	sadd.s32 @!p0 s3, s7;
	s7 =	simm.s32 @!p0 $0x108  }
0x21: {  	s3 =	sadd.s32 s3, s9;
	s6 =	sadd.s32 @!p0 $0x88, s6;
	s7 =	simm.s32 @p2 $0x1082  }
0x22: {  	[simem:s7], [sflag:s8] =	dma.local @!p0 [hbm:s6], $0xF7A  }
0x23: {  	s9 =	sor.u32 $0xD0000000, s2;
	s6 =	simm.s32 $0x108;
	_ =	swait.ge @!p0 [sflag:s8], $0x0  }
0x24: {  	s3 =	sadd.s32 $0x88, s3;
	s6 =	simm.s32 @!p1 $0x1082;
	[sflag:s4] =	ssyncset.s32 $0xFFFFF086  }
0x25: {  	[simem:s6], [sflag:s4] =	dma.local [hbm:s3], $0xF7A  }
0x26: {  	[smem:$0x3F9E] =	sst s1;
	(tag) =	ssettag s2;
	_ =	strace s9  }
0x27: {  	s1 =	sld [smem:$0x3FAE]  }
0x28: {  	s2 =	sld [smem:$0x3FAF]  }
0x29: {  	s4 =	sld [smem:$0x3FB1]  }
0x2a: {  	p0 =	seq.s32 s5, $0x0;
	s5 =	sld [smem:$0x3FB2]  }
0x2b: {  	s6 =	sld [smem:$0x3FB3]  }
0x2c: {  	s7 =	sld [smem:$0x3FB4]  }
0x2d: {  	s3 =	simm.s32 $0x108;
	s8 =	sld [smem:$0x3FB5]  }
0x2e: {  	s3 =	simm.s32 @!p0 $0x1082;
	s9 =	sld [smem:$0x3FB6]  }
0x2f: {  	lr =	sadd.s32 s0, s3;
	s0 =	sld [smem:$0x3FAD]  }
0x30: {  	s3 =	sld [smem:$0x3FB0]  }
0x31: {  	[smem:$0x3FB9] =	sst s10  }
0x32: {  	s10 =	sld [smem:$0x3FB7];
	_ =	sdelay $0x3  }
0x33: {  	p0 =	seq.s32 s10, $0x1;
	s10 =	sld [smem:$0x3FB9];
	_ =	sdelay $0x3  }
0x34: {  	[smem:$0x3FB9] =	sst s10  }
0x35: {  	s10 =	sld [smem:$0x3FB8];
	_ =	sdelay $0x3  }
0x36: {  	p1 =	seq.s32 s10, $0x1;
	s10 =	sld [smem:$0x3FB9];
	_ =	sdelay $0x3  }
0x37: {  	[smem:$0x3FB9] =	sst s10  }
0x38: {  	s10 =	sld [smem:$0x3FBA]  }
0x39: {  	_ = 	snop;
	(pc) =	sbr.ind lr, $3  }
0x3a: {  	_ = 	snop  }
0x3b: {  	_ = 	snop  }
0x3c: {  	p2 =	seq.s32 s10, $0x1;
	s10 =	sld [smem:$0x3FB9]  }
0x3d: {  	_ =	shalt  }
0x3e: {  	_ =	shalt  }
0x3f: {  	_ =	shalt  }
0x40: {  	_ =	shalt  }
0x41: {  	_ =	shalt  }
0x42: {  	_ =	shalt  }
0x43: {  	_ =	shalt  }
0x44: {  	_ =	shalt  }
0x45: {  	_ =	shalt  }
0x46: {  	_ =	shalt  }
0x47: {  	_ =	shalt  }
0x48: {  	_ =	shalt  }
0x49: {  	_ =	shalt  }
0x4a: {  	_ =	shalt  }
0x4b: {  	_ =	shalt  }
0x4c: {  	_ =	shalt  }
0x4d: {  	_ =	shalt  }
0x4e: {  	_ =	shalt  }
0x4f: {  	_ =	shalt  }
0x50: {  	_ =	shalt  }
0x51: {  	_ =	shalt  }
0x52: {  	_ =	shalt  }
0x53: {  	_ =	shalt  }
0x54: {  	_ =	shalt  }
0x55: {  	_ =	shalt  }
0x56: {  	_ =	shalt  }
0x57: {  	_ =	shalt  }
0x58: {  	_ =	shalt  }
0x59: {  	_ =	shalt  }
0x5a: {  	_ =	shalt  }
0x5b: {  	_ =	shalt  }
0x5c: {  	_ =	shalt  }
0x5d: {  	_ =	shalt  }
0x5e: {  	_ =	shalt  }
0x5f: {  	_ =	shalt  }
0x60: {  	_ =	shalt  }
0x61: {  	_ =	shalt  }
0x62: {  	_ =	shalt  }
0x63: {  	_ =	shalt  }
0x64: {  	_ =	shalt  }
0x65: {  	_ =	shalt  }
0x66: {  	_ =	shalt  }
0x67: {  	_ =	shalt  }
0x68: {  	_ =	shalt  }
0x69: {  	_ =	shalt  }
0x6a: {  	_ =	shalt  }
0x6b: {  	_ =	shalt  }
0x6c: {  	_ =	shalt  }
0x6d: {  	_ =	shalt  }
0x6e: {  	_ =	shalt  }
0x6f: {  	_ =	shalt  }
0x70: {  	_ =	shalt  }
0x71: {  	_ =	shalt  }
0x72: {  	_ =	shalt  }
0x73: {  	_ =	shalt  }
0x74: {  	_ =	shalt  }
0x75: {  	_ =	shalt  }
0x76: {  	_ =	shalt  }
0x77: {  	_ =	shalt  }
0x78: {  	_ =	shalt  }
0x79: {  	_ =	shalt  }
0x7a: {  	_ =	shalt  }
0x7b: {  	_ =	shalt  }
0x7c: {  	_ =	shalt  }
0x7d: {  	_ =	shalt  }
0x7e: {  	_ =	shalt  }
0x7f: {  	_ =	shalt  }
0x80: {  	_ =	shalt  }
0x81: {  	_ =	shalt  }
0x82: {  	_ =	shalt  }
0x83: {  	_ =	shalt  }
0x84: {  	_ =	shalt  }
0x85: {  	_ =	shalt  }
0x86: {  	_ =	shalt  }
0x87: {  	_ =	shalt  }
.Lfunc_end0:
.L_simem_size_0:
called_computation.2_lowered:
.L_overlay_start_0:
0x88: {  	s2 =	sld [smem:$0x3FD9]  }
0x89: {  	s3 =	sld [smem:$0x3FFE];
	_ =	sdelay $0x1  }
0x8a: {  	s1 =	srdreg.scid  }
0x8b: {  	s0 =	sand.u32 $0x1, s1  }
0x8c: {  	s16 =	sshll.u32 s0, $0xA;
	s2 =	sadd.s32 s3, s2  }
0x8d: {  	s2 =	sadd.s32 s2, s16  }
0x8e: {  	[smem:$0x3FC5] =	sst s2  }
0x8f: {  	_ = 	snop  }
0x90: {  	(tm) =	ssettm $0x1  }
0x91: {  	s17 =	sld [smem:$0x3FFB];
	_ =	sdelay $0x3  }
0x92: {  	_ =	strace s17  }
0x93: {  	s2 =	sld [smem:$0x3FFC];
	_ =	sdelay $0x3  }
0x94: {  	_ =	strace s2  }
0x95: {  	s2 =	sld [smem:$0x3FFD];
	_ =	sdelay $0x3  }
0x96: {  	_ =	strace s2  }
0x97: {  	_ =	strace $0x8FFFFFFF  }
0x98: {  	s18 =	sld [smem:$0x3FDB];
	_ =	sdelay $0x1  }
0x99: {  	s19 =	simm.s32 $_scs_section_size  }
0x9a: {  	s4 =	simm.s32 $_size__tile_overlayer_lowered;
	s5 =	simm.s32 $_tile_overlayer_lowered  }
0x9b: {  	s22 =	simm.s32 $0x1BFF;
	s21 =	sshll.u32 s5, $0x1;
	s2 =	sadd.s32 s19, s18  }
0x9c: {  	s6 =	simm.s32 $0x0;
	s20 =	sshll.u32 s4, $0x1;
	s4 =	sadd.s32 s21, s2  }
0x9d: {  	[timem:s6], [sflag:s22] =	dma.local [hbm:s4], s20  }
0x9e: {  	_ =	swait.ge [sflag:s22], s20  }
0x9f: {  	s3 =	ssub.s32 $0x0, s20;
	[sflag:s22] =	ssyncset.done $0x0  }
0xa0: {  	[sflag:s22] =	ssyncadd.s32 s3;
	_ =	sdelay $0x1  }
0xa1: {  	s23 =	simm.s32 $0x1B8B  }
0xa2: {  	_ =	swait.ge [sflag:s23], $0x1  }
0xa3: {  	[sflag:s23] =	ssyncset.done $0x0  }
0xa4: {  	s25 =	simm.s32 $0x1B8E;
	s24 =	sld [smem:$0x3FFE];
	[sflag:s23] =	ssyncadd.s32 $0xFFFFFFFF  }
0xa5: {  	s26 =	simm.s32 $execute0_lowered;
	[smem:$0x3FD2] =	sst s25  }
0xa6: {  	s4 =	sshll.u32 s26, $0x1;
	_ =	strace $0x8000004C;
	[dreg:$0x1] =	wrdreg $0xFFFFFFFF  }
0xa7: {  	s28 =	simm.s32 $_size_execute0_lowered;
	s2 =	sadd.s32 s2, s4;
	[dreg:$0x0] =	wrdreg $0x0  }
0xa8: {  	s4 =	sshll.u32 s28, $0x1;
	[dreg:$0x2] =	wrdreg s2  }
0xa9: {  	[dreg:$0x3] =	wrdreg s4  }
0xaa: {  	[dreg:$0x4] =	wrdreg $0xC0  }
0xab: {  	_ =	task [dreg:s6], $0x5FFFF  }
0xac: {  	[dreg:$0x1] =	wrdreg $0xFFFFFFFF  }
0xad: {  	[dreg:$0x0] =	wrdreg $0x60  }
0xae: {  	[dreg:$0x2] =	wrdreg s24  }
0xaf: {  	[dreg:$0x3] =	wrdreg $0x9  }
0xb0: {  	_ =	task.clear_ibuf [dreg:s6], $0x4FFFF;
	_ =	strace $0x9000004C  }
0xb1: {  	s29 =	simm.s32 $0x9;
	_ =	strace $0x8000004E  }
0xb2: {  	_ =	swait.ge [sflag:s29], $0x1  }
0xb3: {  	[sflag:s29] =	ssyncadd.s32 $0xFFFFFFFF  }
0xb4: {  	_ =	strace $0x9000004E  }
0xb5: {  	_ =	sfence  }
0xb6: {  	s30 =	sld [smem:$0x0];
	_ =	sdelay $0x2  }
0xb7: {  	s31 =	sshll.u32 s1, $0xD;
	s1 =	sshrl.u32 s1, $0x2  }
0xb8: {  	s3 =	sand.u32 $0x4000, s31;
	s1 =	sadd.s32 s1, s30  }
0xb9: {  	s0 =	sor.u32 s3, s0;
	s1 =	sshll.u32 s1, $0x11  }
0xba: {  	s0 =	sor.u32 s1, s0  }
0xbb: {  	s0 =	sadd.s32 $0x8F2B, s0  }
0xbc: {  	[sflag:s0] =	ssyncadd.remote.s32 $0x1  }
0xbd: {  	_ =	sfence.sel $0xFFFF  }
0xbe: {  	[dreg:$0x0] =	wrdreg $0xFFFFFFFF;
	(pc) =	sbr.abs _section_cstart, $3  }
0xbf: {  	[dreg:$0x1] =	wrdreg $0xFFFFFFFF  }
0xc0: {  	_ =	task.clear_ibuf [dreg:s6], $0x2FFFF;
	_ =	strace $0x9FFFFFFF  }
0xc1: {  	(tm) =	ssettm $0x7FFFFFFF  }
tec
execute0_lowered:
.L_overlay_start_1:
0x0: {  	(tag) =	ssettag $0x1  }
0x1: {  	s1 =	srdreg.scid  }
0x2: {  	s0 =	stileid.u32;
	s5 =	rddreg [dreg:$0x0]  }
0x3: {  	s2 =	simm.s32 $0x0;
	s11 =	simm.s32 $0x3200;
	s12 =	simm.s32 $0x0  }
0x4: {  	s4 =	sand.u32 $0x1, s1;
	s29 =	sshll.u32 s0, $0x1;
	s1 =	rddreg [dreg:$0x1]  }
0x5: {  	[smem:$0x7FF] =	sst s2;
	s10 =	smul.u32 $0x3200, s0;
	s6 =	sor.u32 s4, s29  }
0x6: {  	_ =	strace $0x8000004D;
	s8 =	ssub.s32 $0x2, s4;
	s3 =	smul.u32 $0x1900, s6  }
0x7: {  	s31 =	smul.u32 $0x1900, s4;
	s6 =	sshll.u32 s6, $0x1;
	s9 =	sshrl.u32 s8, $0x1  }
0x8: {  	s30 =	ssub.s32 s8, s9;
	s8 =	simm.s32 $0x2;
	s7 =	sshrl.u32 s3, $0x3  }
0x9: {  	s9 =	simm.s32 $0x1900;
	s3 =	sadd.s32 $0x18B8C00, s5;
	s7 =	sadd.s32 s7, s5  }
0xa: {  	s5 =	sadd.s32 s6, s5;
	s6 =	smax.u32 s30, $0x1;
	s4 =	sadd.s32 $0xC00, s7  }
0xb: {  	v0 =	vlaneseq.u32;
	v1 =	vimm.f32 $6.510416820e-06;
	s5 =	sadd.s32 $0x7000, s5;
	s7 =	sadd.s32 s31, s10;
	s10 =	simm.s32 $0x1  }
.LBB2_1:
0xc: {  	[tilespmem:s2], [sflag:$0x2] =	stream.linear.gather [hbm4b:s4+s2], $0x1900, $0x38;
	[tilespmem:$0x3280] =	vst v63  }
0xd: {  	_ =	swait.ge [sflag:s8], $0x1900  }
0xe: {  	[sflag:s8] =	ssyncset.done $0x0  }
0xf: {  	[sflag:s8] =	ssyncadd.s32 $0xFFFFE700  }
0x10: {  	[tilespmem:s9], [sflag:$0x1] =	stream.indirect.gather [hbm4b:s3+s9], $0x1, s2, s9, $0xb8;
	[tilespmem:$0x3280] =	vst v63  }
0x11: {  	_ =	swait.ge [sflag:s10], $0x1900  }
0x12: {  	[sflag:s10] =	ssyncset.done $0x0  }
0x13: {  	s13 =	simm.s32 $0x0;
	[sflag:s10] =	ssyncadd.s32 $0xFFFFE700  }
0x14: {  	v7 =	vld [tilespmem:s13+$0x1900];
	_ =	sdelay $0x4  }
0x15: {  	v2 =	vand.u32 $0x7FFFFFFF, v7  }
0x16: {  	v2 =	vsub.f32 $0.0e+00, v2;
	_ =	sdelay $0x1  }
0x17: {  	v2 =	vmul.f32 $1.442695020e+00, v2;
	_ =	sdelay $0x1  }
0x18: {  	s28 =	simm.s32 $0x10;
	(erf) = vpow2.f32 v2  }
0x19: {  	v6 =	vld [tilespmem:s28+$0x1900];
	_ =	sdelay $0x4  }
0x1a: {  	v2 =	vand.u32 $0x7FFFFFFF, v6  }
0x1b: {  	v2 =	vsub.f32 $0.0e+00, v2;
	_ =	sdelay $0x1  }
0x1c: {  	v2 =	vmul.f32 $1.442695020e+00, v2;
	v3 =	vpop (erf)  }
0x1d: {  	v4 =	vadd.f32 $2.000000000e+00, v3  }
0x1e: {  	s29 =	simm.s32 $0x20;
	(erf) = vpow2.f32 v2  }
0x1f: {  	(erf) = vrcp.f32 v4;
	v4 =	vld [tilespmem:s29+$0x1900];
	_ =	sdelay $0x4  }
0x20: {  	v2 =	vand.u32 $0x7FFFFFFF, v4  }
0x21: {  	v2 =	vsub.f32 $0.0e+00, v2;
	_ =	sdelay $0x1  }
0x22: {  	v5 =	vpop (erf);
	v2 =	vmul.f32 $1.442695020e+00, v2  }
0x23: {  	v9 =	vadd.f32 $2.000000000e+00, v5  }
0x24: {  	v8 =	vpop (erf);
	(erf) = vpow2.f32 v2  }
0x25: {  	s30 =	simm.s32 $0x30;
	v15 =	vmul.f32 v8, v3;
	(erf) = vrcp.f32 v9  }
0x26: {  	v3 =	vld [tilespmem:s30+$0x1900]  }
0x27: {  	v10 =	vmul.f32 v15, v15;
	_ =	sdelay $0x1  }
0x28: {  	v2 =	vmul.f32 $7.692307980e-02, v10;
	_ =	sdelay $0x1  }
0x29: {  	v8 =	vand.u32 $0x7FFFFFFF, v3;
	v2 =	vadd.f32 $9.090909360e-02, v2  }
0x2a: {  	v8 =	vsub.f32 $0.0e+00, v8  }
0x2b: {  	v2 =	vmul.f32 v2, v10;
	v16 =	vpop (erf)  }
0x2c: {  	v8 =	vmul.f32 $1.442695020e+00, v8;
	v9 =	vpop (erf)  }
0x2d: {  	v2 =	vadd.f32 $1.111111120e-01, v2;
	v9 =	vmul.f32 v9, v5  }
0x2e: {  	(erf) = vpow2.f32 v8;
	v8 =	vadd.f32 $2.000000000e+00, v16  }
0x2f: {  	s31 =	simm.s32 $0x40;
	v5 =	vmul.f32 v2, v10;
	v11 =	vmul.f32 v9, v9  }
0x30: {  	v2 =	vld [tilespmem:s31+$0x1900];
	(erf) = vrcp.f32 v8  }
0x31: {  	v5 =	vadd.f32 $1.428571490e-01, v5;
	v8 =	vmul.f32 $7.692307980e-02, v11;
	_ =	sdelay $0x1  }
0x32: {  	v5 =	vmul.f32 v5, v10;
	v8 =	vadd.f32 $9.090909360e-02, v8;
	_ =	sdelay $0x1  }
0x33: {  	v12 =	vand.u32 $0x7FFFFFFF, v2;
	v5 =	vadd.f32 $2.000000030e-01, v5;
	v8 =	vmul.f32 v8, v11  }
0x34: {  	v13 =	vsub.f32 $0.0e+00, v12  }
0x35: {  	v5 =	vmul.f32 v5, v10  }
0x36: {  	v18 =	vor.u32 s7, v0;
	v14 =	vpop (erf);
	v19 =	vmul.f32 $1.442695020e+00, v13  }
0x37: {  	v17 =	vmulhi.u32 $0x51EB851F, v18;
	v20 =	vadd.f32 $1.111111120e-01, v8;
	v5 =	vadd.f32 $3.333333430e-01, v5;
	v8 =	vpop (erf)  }
0x38: {  	(erf) = vpow2.f32 v19;
	v19 =	vadd.f32 $2.000000000e+00, v14;
	v8 =	vmul.f32 v8, v16  }
0x39: {  	v17 =	vshrl.u32 v17, $0x6;
	v16 =	vmul.f32 v20, v11;
	v5 =	vmul.f32 v5, v10  }
0x3a: {  	s14 =	simm.s32 $0x50;
	v15 =	vadd.f32 v15, v15;
	v20 =	vmul.u32 $0xC8, v17;
	(erf) = vrcp.f32 v19  }
0x3b: {  	s13 =	sadd.s32 $0x10, s7;
	v10 =	vmul.f32 v8, v8;
	v17 =	vadd.f32 $1.428571490e-01, v16;
	v16 =	vadd.f32 $1.000000000e+00, v5;
	v5 =	vld [tilespmem:s14+$0x1900]  }
0x3c: {  	v12 =	vimm.f32 $0.0e+00;
	v13 =	vor.u32 s13, v0;
	v19 =	vsub.s32 v18, v20  }
0x3d: {  	s14 =	simm.s32 $0x180;
	vm0 =	vlt.u32 v19, $0x32;
	v19 =	vxor.u32 $0x80000000, v7;
	v18 =	vmul.f32 $7.692307980e-02, v10  }
.LBB2_2:
0x3e: {  	p0 =	sne.s32 s14, $0x63C0;
	v17 =	vmul.f32 v17, v11;
	v15 =	vmul.f32 v16, v15;
	v16 =	vsel vm0, v19, v7;
	v7 =	vmovc v6  }
0x3f: {  	v19 =	vmulhi.u32 $0x51EB851F, v13;
	v6 =	vmovc v4;
	v4 =	vmovc v3;
	v18 =	vadd.f32 $9.090909360e-02, v18;
	v16 =	vmax.f32 v16, $0.0e+00  }
0x40: {  	v3 =	vmovc v2;
	v21 =	vand.u32 $0x7FFFFFFF, v5;
	v17 =	vadd.f32 $2.000000030e-01, v17;
	v15 =	vadd.f32 v15, v16;
	v2 =	vmovc v5  }
0x41: {  	v5 =	vsub.f32 $0.0e+00, v21;
	v16 =	vmul.f32 v18, v10;
	v18 =	vsel vm0, $0x37A3D70A, v1  }
0x42: {  	s13 =	sadd.s32 $0x10, s13;
	v20 =	vpop (erf);
	v17 =	vmul.f32 v17, v11;
	v15 =	vmul.f32 v15, v18  }
0x43: {  	v18 =	vor.u32 s13, v0;
	v5 =	vmul.f32 $1.442695020e+00, v5;
	v16 =	vadd.f32 $1.111111120e-01, v16  }
0x44: {  	v19 =	vshrl.u32 v19, $0x6;
	v21 =	vpop (erf);
	v17 =	vadd.f32 $3.333333430e-01, v17;
	v12 =	vadd.f32 v15, v12  }
.Ltmp0:
0x45: {  	v15 =	vadd.f32 $2.000000000e+00, v20;
	(erf) = vpow2.f32 v5;
	v21 =	vmul.f32 v21, v14;
	v14 =	vmovc v20;
	(pc) =	sbr.rel @p0 .LBB2_2-.Ltmp0, $4  }
0x46: {  	s15 =	sshra.s32 s14, $0x2;
	v19 =	vmul.u32 $0xC8, v19;
	v16 =	vmul.f32 v16, v10;
	v20 =	vmul.f32 v17, v11;
	v11 =	vmovc v10  }
0x47: {  	v5 =	vld [tilespmem:s15+$0x1900];
	(erf) = vrcp.f32 v15;
	v10 =	vmul.f32 v21, v21;
	v15 =	vadd.f32 v9, v9;
	v9 =	vmovc v8;
	v8 =	vmovc v21  }
0x48: {  	v19 =	vsub.s32 v13, v19;
	v13 =	vmovc v18;
	v17 =	vadd.f32 $1.428571490e-01, v16;
	v16 =	vadd.f32 $1.000000000e+00, v20  }
0x49: {  	s14 =	sadd.s32 $0x40, s14;
	vm0 =	vlt.u32 v19, $0x32;
	v19 =	vxor.u32 $0x80000000, v7;
	v18 =	vmul.f32 $7.692307980e-02, v10  }
0x4a: {  	_ =	sdelay $0x1  }
0x4b: {  	v20 =	vand.u32 $0x7FFFFFFF, v5  }
0x4c: {  	v20 =	vsub.f32 $0.0e+00, v20;
	_ =	sdelay $0x1  }
0x4d: {  	v20 =	vmul.f32 $1.442695020e+00, v20;
	_ =	sdelay $0x1  }
0x4e: {  	(erf) = vpow2.f32 v20;
	_ =	sdelay $0x5  }
0x4f: {  	v17 =	vmul.f32 v17, v11;
	v7 =	vsel vm0, v19, v7;
	v15 =	vmul.f32 v16, v15  }
0x50: {  	v58 =	vmulhi.u32 $0x51EB851F, v13;
	v21 =	vsel vm0, $0x37A3D70A, v1;
	v9 =	vadd.f32 v9, v9;
	v54 =	vpop (erf)  }
0x51: {  	v27 =	vxor.u32 $0x80000000, v6;
	v18 =	vadd.f32 $9.090909360e-02, v18;
	v57 =	vadd.f32 $2.000000000e+00, v54;
	v59 =	vpop (erf)  }
0x52: {  	v8 =	vadd.f32 v8, v8;
	v41 =	vxor.u32 $0x80000000, v4;
	v55 =	vadd.f32 $2.000000030e-01, v17;
	v60 =	vpop (erf)  }
0x53: {  	v56 =	vmul.f32 v18, v10;
	(erf) = vrcp.f32 v57;
	v61 =	vadd.f32 $2.000000000e+00, v60  }
0x54: {  	v50 =	vxor.u32 $0x80000000, v3;
	v16 =	vmul.f32 v55, v11;
	v14 =	vmul.f32 v59, v14  }
0x55: {  	s13 =	sadd.s32 $0x10, s13;
	v7 =	vmax.f32 v7, $0.0e+00;
	v17 =	vadd.f32 $1.111111120e-01, v56;
	(erf) = vrcp.f32 v61  }
0x56: {  	v63 =	vor.u32 s13, v0;
	v16 =	vadd.f32 $3.333333430e-01, v16;
	v62 =	vmul.f32 v14, v14  }
0x57: {  	v7 =	vadd.f32 v15, v7;
	v20 =	vshrl.u32 v58, $0x6;
	v17 =	vmul.f32 v17, v10  }
0x58: {  	s13 =	sadd.s32 $0x10, s13;
	v20 =	vmul.u32 $0xC8, v20;
	v23 =	vmul.f32 v16, v11;
	v26 =	vmul.f32 $7.692307980e-02, v62  }
0x59: {  	v31 =	vmulhi.u32 $0x51EB851F, v63;
	v34 =	vor.u32 s13, v0;
	v24 =	vadd.f32 $1.428571490e-01, v17  }
0x5a: {  	s13 =	sadd.s32 $0x10, s13;
	v25 =	vsub.s32 v13, v20;
	v11 =	vadd.f32 $1.000000000e+00, v23;
	v17 =	vadd.f32 $9.090909360e-02, v26  }
0x5b: {  	v49 =	vor.u32 s13, v0;
	v7 =	vmul.f32 v7, v21;
	vm12 =	vlt.u32 v25, $0x32  }
0x5c: {  	v9 =	vmul.f32 v11, v9;
	v6 =	vsel vm12, v27, v6;
	v29 =	vmul.f32 v17, v62;
	v30 =	vpop (erf)  }
0x5d: {  	v7 =	vadd.f32 v7, v12;
	v6 =	vmax.f32 v6, $0.0e+00;
	v32 =	vmul.f32 v30, v54  }
0x5e: {  	v16 =	vmul.f32 v24, v10;
	v6 =	vadd.f32 v9, v6;
	v12 =	vadd.f32 $1.111111120e-01, v29;
	v36 =	vpop (erf)  }
0x5f: {  	v33 =	vsel vm12, $0x37A3D70A, v1;
	v35 =	vmul.f32 v32, v32;
	v18 =	vmul.f32 v36, v60  }
0x60: {  	v28 =	vadd.f32 $2.000000030e-01, v16;
	v6 =	vmul.f32 v6, v33;
	v12 =	vmul.f32 v12, v62  }
0x61: {  	v16 =	vshrl.u32 v31, $0x6;
	v37 =	vmul.f32 $7.692307980e-02, v35;
	v19 =	vmul.f32 v18, v18  }
0x62: {  	v16 =	vmul.u32 $0xC8, v16;
	v11 =	vmul.f32 v28, v10;
	v12 =	vadd.f32 $1.428571490e-01, v12  }
0x63: {  	v6 =	vadd.f32 v6, v7;
	v7 =	vadd.f32 $9.090909360e-02, v37;
	v40 =	vmul.f32 $7.692307980e-02, v19  }
0x64: {  	v51 =	vmulhi.u32 $0x51EB851F, v49;
	v11 =	vadd.f32 $3.333333430e-01, v11;
	v12 =	vmul.f32 v12, v62  }
0x65: {  	v39 =	vsub.s32 v63, v16;
	v7 =	vmul.f32 v7, v35;
	v16 =	vadd.f32 $9.090909360e-02, v40  }
0x66: {  	v44 =	vmulhi.u32 $0x51EB851F, v34;
	v38 =	vmul.f32 v11, v10;
	v12 =	vadd.f32 $2.000000030e-01, v12  }
0x67: {  	v53 =	vshrl.u32 v51, $0x6;
	v7 =	vadd.f32 $1.111111120e-01, v7;
	v43 =	vmul.f32 v16, v19  }
0x68: {  	vm13 =	vlt.u32 v39, $0x32;
	v10 =	vadd.f32 $1.000000000e+00, v38;
	v42 =	vmul.f32 v12, v62  }
0x69: {  	v4 =	vsel vm13, v41, v4;
	v7 =	vmul.f32 v7, v35;
	v46 =	vadd.f32 $1.111111120e-01, v43  }
0x6a: {  	v4 =	vmax.f32 v4, $0.0e+00;
	v8 =	vmul.f32 v10, v8;
	v45 =	vadd.f32 $3.333333430e-01, v42  }
0x6b: {  	v12 =	vshrl.u32 v44, $0x6;
	v7 =	vadd.f32 $1.428571490e-01, v7;
	v10 =	vmul.f32 v46, v19  }
0x6c: {  	v4 =	vadd.f32 v8, v4;
	v12 =	vmul.u32 $0xC8, v12;
	v8 =	vmul.f32 v45, v62  }
0x6d: {  	v48 =	vadd.f32 v14, v14;
	v7 =	vmul.f32 v7, v35;
	v10 =	vadd.f32 $1.428571490e-01, v10  }
0x6e: {  	v47 =	vsel vm13, $0x37A3D70A, v1;
	v12 =	vsub.s32 v34, v12;
	v8 =	vadd.f32 $1.000000000e+00, v8  }
0x6f: {  	vm14 =	vlt.u32 v12, $0x32;
	v7 =	vadd.f32 $2.000000030e-01, v7;
	v10 =	vmul.f32 v10, v19  }
0x70: {  	v4 =	vmul.f32 v4, v47;
	v3 =	vsel vm14, v50, v3;
	v8 =	vmul.f32 v8, v48  }
0x71: {  	s13 =	sadd.s32 $0x10, s13;
	v3 =	vmax.f32 v3, $0.0e+00;
	v7 =	vmul.f32 v7, v35;
	v52 =	vadd.f32 $2.000000030e-01, v10  }
0x72: {  	v54 =	vor.u32 s13, v0;
	v4 =	vadd.f32 v4, v6;
	v3 =	vadd.f32 v8, v3  }
0x73: {  	v8 =	vmul.u32 $0xC8, v53;
	v7 =	vadd.f32 $3.333333430e-01, v7;
	v6 =	vmul.f32 v52, v19  }
0x74: {  	v58 =	vxor.u32 $0x80000000, v2;
	v56 =	vmulhi.u32 $0x51EB851F, v54;
	v9 =	vadd.f32 v32, v32  }
0x75: {  	v8 =	vsub.s32 v49, v8;
	v7 =	vmul.f32 v7, v35;
	v6 =	vadd.f32 $3.333333430e-01, v6  }
0x76: {  	v57 =	vshrl.u32 v56, $0x6;
	v60 =	vxor.u32 $0x80000000, v5;
	vm15 =	vlt.u32 v8, $0x32  }
0x77: {  	v8 =	vmul.u32 $0xC8, v57;
	v7 =	vadd.f32 $1.000000000e+00, v7;
	v6 =	vmul.f32 v6, v19  }
0x78: {  	v59 =	vadd.f32 v18, v18;
	v55 =	vsel vm14, $0x37A3D70A, v1;
	v2 =	vsel vm15, v58, v2  }
0x79: {  	v8 =	vsub.s32 v54, v8;
	v7 =	vmul.f32 v7, v9;
	v6 =	vadd.f32 $1.000000000e+00, v6  }
0x7a: {  	v3 =	vmul.f32 v3, v55;
	v2 =	vmax.f32 v2, $0.0e+00;
	vm1 =	vlt.u32 v8, $0x32  }
0x7b: {  	v5 =	vsel vm1, v60, v5;
	v2 =	vadd.f32 v7, v2;
	v6 =	vmul.f32 v6, v59  }
0x7c: {  	v61 =	vsel vm15, $0x37A3D70A, v1;
	v5 =	vmax.f32 v5, $0.0e+00  }
0x7d: {  	v3 =	vadd.f32 v3, v4;
	v2 =	vmul.f32 v2, v61;
	v62 =	vadd.f32 v6, v5  }
0x7e: {  	v63 =	vsel vm1, $0x37A3D70A, v1  }
0x7f: {  	v2 =	vadd.f32 v2, v3;
	v3 =	vmul.f32 v62, v63;
	_ =	sdelay $0x1  }
0x80: {  	s12 =	sadd.s32 $0x1, s12;
	v2 =	vadd.f32 v3, v2  }
0x81: {  	p0 =	sne.s32 s12, s6  }
.Ltmp1:
0x82: {  	[tilespmem:$0x3200] =	vst v2;
	(pc) =	sbr.rel @p0 .LBB2_1-.Ltmp1, $4  }
0x83: {  	[hbm4b:s5+s2] =	stream.linear.scatter [tilespmem:s11], [sflag:$0x2], $0x10, $0x38;
	[tilespmem:$0x3280] =	vst v63  }
0x84: {  	_ =	swait.ge [sflag:s8], $0x10  }
0x85: {  	[sflag:s8] =	ssyncset.done $0x0  }
0x86: {  	[sflag:s8] =	ssyncadd.s32 $0xFFFFFFF0  }
0x87: {  	_ =	sfence.sel $0x180000  }
0x88: {  	[bflag:$0x0] =	sbarrier.arrive $0xFFFF  }
0x89: {  	p0 =	sne.s32 s0, $0x0;
	_ =	strace $0x9000004D  }
0x8a: {  	s0 =	sadd.s32 @!p0 $0x100000, s1;
	[bflag:$0x2] =	sbarrier.arrive $0xFFFF  }
0x8b: {  	[sflag:s0] =	ssyncadd.tile.s32 @!p0 $0x1;
	_ =	shalt  }
.Lfunc_end2:
_tile_overlayer_lowered:
.L_overlay_start_2:
0x8c: {  	(tag) =	ssettag $0x2  }
0x8d: {  	s0 =	rddreg [dreg:$0x0];
	s2 =	stileid.u32  }
0x8e: {  	s1 =	rddreg [dreg:$0x1];
	p0 =	sne.s32 s2, $0x0  }
0x8f: {  	s3 =	rddreg [dreg:$0x2];
	[bflag:$0x3] =	sbarrier.arrive $0xFFFF;
	s2 =	simm.s32 @!p0 $0x1C02  }
0x90: {  	[timem:s3], [sflag:s2] =	dma.local @!p0 [hbm:s0], s1  }
0x91: {  	s0 =	simm.s32 @!p0 $0x2  }
0x92: {  	_ =	swait.ge @!p0 [sflag:s0], s1  }
0x93: {  	s1 =	ssub.s32 @!p0 $0x0, s1;
	[sflag:s0] =	ssyncset.done @!p0 $0x0  }
0x94: {  	[sflag:s0] =	ssyncadd.s32 @!p0 s1  }
0x95: {  	[bflag:$0x3] =	sbarrier.arrive $0xFFFF  }
0x96: {  	_ =	shalt  }

// kernel: sparse-core-data-format-call.1.cloned.1.call-start
scs
called_computation.1_lowered:
.L_overlay_start_0:
0x0: {  	s2 =	sld [smem:$0x3FD9]  }
0x1: {  	s3 =	sld [smem:$0x3FFE];
	_ =	sdelay $0x1  }
0x2: {  	s1 =	srdreg.scid  }
0x3: {  	s0 =	sand.u32 $0x1, s1  }
0x4: {  	s18 =	sshll.u32 s0, $0xA;
	s2 =	sadd.s32 s3, s2  }
0x5: {  	s2 =	sadd.s32 s2, s18  }
0x6: {  	[smem:$0x3FC5] =	sst s2  }
0x7: {  	_ = 	snop  }
0x8: {  	s2 =	sld [smem:$0x3FC9];
	(tm) =	ssettm $0x1  }
0x9: {  	s19 =	sld [smem:$0x3FFB];
	_ =	sdelay $0x3  }
0xa: {  	_ =	strace s19  }
0xb: {  	s3 =	sld [smem:$0x3FFC];
	_ =	sdelay $0x3  }
0xc: {  	_ =	strace s3  }
0xd: {  	s3 =	sld [smem:$0x3FFD];
	_ =	sdelay $0x3  }
0xe: {  	_ =	strace s3  }
0xf: {  	_ =	strace $0x8FFFFFFF  }
0x10: {  	s20 =	sld [smem:$0x3FDB];
	_ =	sdelay $0x1  }
0x11: {  	s4 =	simm.s32 $_scs_section_size  }
0x12: {  	s5 =	simm.s32 $_size__tile_overlayer_lowered;
	s6 =	simm.s32 $_tile_overlayer_lowered  }
0x13: {  	s23 =	simm.s32 $0x1BFF;
	s22 =	sshll.u32 s6, $0x1;
	s3 =	sadd.s32 s4, s20  }
0x14: {  	s7 =	simm.s32 $0x0;
	s21 =	sshll.u32 s5, $0x1;
	s5 =	sadd.s32 s22, s3  }
0x15: {  	[timem:s7], [sflag:s23] =	dma.local [hbm:s5], s21  }
0x16: {  	_ =	swait.ge [sflag:s23], s21  }
0x17: {  	s4 =	ssub.s32 $0x0, s21;
	[sflag:s23] =	ssyncset.done $0x0  }
0x18: {  	[sflag:s23] =	ssyncadd.s32 s4;
	_ =	sdelay $0x1  }
0x19: {  	s24 =	simm.s32 $0x1B8B  }
0x1a: {  	_ =	swait.ge [sflag:s24], $0x1  }
0x1b: {  	[sflag:s24] =	ssyncset.done $0x0  }
0x1c: {  	s26 =	simm.s32 $0x1B8E;
	s25 =	sld [smem:$0x3FFE];
	[sflag:s24] =	ssyncadd.s32 $0xFFFFFFFF  }
0x1d: {  	s27 =	simm.s32 $execute0_lowered;
	[smem:$0x3FD2] =	sst s26  }
0x1e: {  	s5 =	sshll.u32 s27, $0x1;
	_ =	strace $0x80000046;
	[dreg:$0x1] =	wrdreg $0xFFFFFFFF  }
0x1f: {  	s28 =	simm.s32 $_size_execute0_lowered;
	s3 =	sadd.s32 s3, s5;
	[dreg:$0x0] =	wrdreg $0x0  }
0x20: {  	s5 =	sshll.u32 s28, $0x1;
	[dreg:$0x2] =	wrdreg s3  }
0x21: {  	[dreg:$0x3] =	wrdreg s5  }
0x22: {  	[dreg:$0x4] =	wrdreg $0xC0  }
0x23: {  	_ =	task [dreg:s7], $0x5FFFF  }
0x24: {  	[dreg:$0x1] =	wrdreg $0xFFFFFFFF  }
0x25: {  	[dreg:$0x0] =	wrdreg $0x60  }
0x26: {  	[dreg:$0x2] =	wrdreg s2  }
0x27: {  	[dreg:$0x3] =	wrdreg s25  }
0x28: {  	[dreg:$0x4] =	wrdreg $0x9  }
0x29: {  	_ =	task.clear_ibuf [dreg:s7], $0x5FFFF;
	_ =	strace $0x90000046  }
0x2a: {  	s29 =	simm.s32 $0x9;
	_ =	strace $0x80000048  }
0x2b: {  	_ =	swait.ge [sflag:s29], $0x1  }
0x2c: {  	[sflag:s29] =	ssyncadd.s32 $0xFFFFFFFF  }
0x2d: {  	_ =	strace $0x90000048  }
0x2e: {  	_ =	sfence  }
0x2f: {  	s30 =	sld [smem:$0x0];
	_ =	sdelay $0x2  }
0x30: {  	s31 =	sshll.u32 s1, $0xD;
	s1 =	sshrl.u32 s1, $0x2  }
0x31: {  	s3 =	sand.u32 $0x4000, s31;
	s1 =	sadd.s32 s1, s30  }
0x32: {  	s0 =	sor.u32 s3, s0;
	s1 =	sshll.u32 s1, $0x11  }
0x33: {  	s0 =	sor.u32 s1, s0  }
0x34: {  	s0 =	sadd.s32 $0x8F2B, s0  }
0x35: {  	[sflag:s0] =	ssyncadd.remote.s32 $0x1  }
0x36: {  	_ =	sfence.sel $0xFFFF  }
0x37: {  	[dreg:$0x0] =	wrdreg $0xFFFFFFFF;
	(pc) =	sbr.abs _section_cstart, $3  }
0x38: {  	[dreg:$0x1] =	wrdreg $0xFFFFFFFF  }
0x39: {  	_ =	task.clear_ibuf [dreg:s7], $0x2FFFF;
	_ =	strace $0x9FFFFFFF  }
0x3a: {  	(tm) =	ssettm $0x7FFFFFFF  }
0x3b: {  	_ =	shalt  }
tec
execute0_lowered:
.L_overlay_start_1:
0x0: {  	(tag) =	ssettag $0x1  }
0x1: {  	s0 =	srdreg.scid  }
0x2: {  	s1 =	sshll.u32 s0, $0x4  }
0x3: {  	s2 =	rddreg [dreg:$0x0];
	s0 =	stileid.u32;
	s1 =	sand.u32 $0x10, s1  }
0x4: {  	s7 =	rddreg [dreg:$0x1];
	s31 =	simm.s32 $0x2;
	s8 =	sor.u32 s0, s1  }
0x5: {  	s14 =	simm.s32 $0x0;
	s4 =	sshll.u32 s0, $0x7;
	s1 =	sshll.u32 s8, $0x5  }
0x6: {  	s13 =	simm.s32 $0x0;
	s4 =	sand.u32 $0x180, s4;
	s3 =	sand.u32 $0x380, s1  }
0x7: {  	s12 =	simm.s32 $0x0;
	s9 =	ssub.s32 $0x18680, s4;
	s5 =	ssub.s32 $0x400, s3  }
0x8: {  	s1 =	rddreg [dreg:$0x2];
	_ =	strace $0x80000047;
	s6 =	sand.u32 $0x380, s5  }
0x9: {  	s9 =	sshrl.u32 s9, $0x9;
	p0 =	sne.s32 s6, $0x0;
	s6 =	simm.s32 $0x1  }
.Ltmp0:
0xa: {  	s10 =	sshrl.u32 s5, $0xA;
	s6 =	simm.s32 @!p0 $0x0;
	(pc) =	sbr.rel .LBB1_1-.Ltmp0, $4  }
0xb: {  	s9 =	sadd.s32 $0x1, s9;
	s5 =	simm.s32 $0x1;
	s6 =	sadd.s32 s6, s10  }
0xc: {  	s7 =	sadd.s32 $0xC00, s7;
	[sflag:s5] =	ssyncpa.u1 $0x0;
	s6 =	smul.u32 s9, s6  }
0xd: {  	s8 =	sshll.u32 s8, $0x8;
	s11 =	smov.u32 s4;
	[sflag:s31] =	ssyncpa.u1 $0x0  }
0xe: {  	p0 =	por $0x0, $0x0;
	s10 =	simm.s32 $0xC3800;
	s9 =	sadd.s32 $0x1, s6  }
.LBB1_4:
0xf: {  	s14 =	sshrl.u32 s14, $0x3  }
0x10: {  	s20 =	sshll.u32 s13, $0x3;
	s14 =	smul.u32 $0xC3800, s14  }
0x11: {  	v5 =	vld [tilespmem:s18+$0xFFFFFFD0];
	[tilespmem:s17+$0x2040 ss:$0x81] =	vst.msk $0xffff, v4;
	s20 =	sand.u32 $0xFFFFFC00, s20  }
0x12: {  	v58 =	vld [tilespmem:s18+$0xFFFFFFE0];
	[tilespmem:s17+$0x2850 ss:$0x81] =	vst.msk $0xffff, v3;
	s30 =	sand.u32 $0x7F, s13;
	s14 =	sadd.s32 s20, s14  }
0x13: {  	s19 =	sshra.s32 s19, $0x2;
	v59 =	vld [tilespmem:s18+$0xFFFFFFF0];
	[tilespmem:s17+$0x3060 ss:$0x81] =	vst.msk $0xffff, v2;
	s13 =	sor.u32 s30, s14  }
0x14: {  	v60 =	vld [tilespmem:s18+$0x0];
	[tilespmem:s17+$0x0 ss:$0x81] =	vst.msk $0xffff, v0;
	s16 =	sadd.s32 s19, s16;
	s31 =	smulhi.u32 $0xA79C7B17, s13  }
0x15: {  	v61 =	vld [tilespmem:s18+$0x10];
	[tilespmem:s16+$0x3870 ss:$0x81] =	vst.msk $0xffff, v1  }
0x16: {  	v62 =	vld [tilespmem:s18+$0x20];
	s14 =	smulhi.u32 $0xA79C7B17, s14;
	[tilespmem:s16+$0x810 ss:$0x81] =	vst.msk $0xffff, v5;
	s17 =	sshrl.u32 s31, $0x10  }
0x17: {  	v63 =	vld [tilespmem:s18+$0xFFFFFFC0];
	[tilespmem:s16+$0x1020 ss:$0x81] =	vst.msk $0xffff, v58;
	s17 =	smul.u32 $0x18700, s17  }
0x18: {  	[tilespmem:s16+$0x1830 ss:$0x81] =	vst.msk $0xffff, v59;
	s14 =	sshrl.u32 s14, $0x10  }
0x19: {  	[tilespmem:s16+$0x2040 ss:$0x81] =	vst.msk $0xffff, v60;
	s14 =	sand.u32 $0x3FF, s14;
	s13 =	ssub.s32 s13, s17  }
0x1a: {  	[tilespmem:s16+$0x2850 ss:$0x81] =	vst.msk $0xffff, v61;
	s14 =	smul.u32 $0x30E0, s14;
	s17 =	sshrl.u32 s13, $0x3;
	s13 =	sand.u32 $0x7, s13  }
0x1b: {  	[tilespmem:s16+$0x3060 ss:$0x81] =	vst.msk $0xffff, v62;
	s17 =	sadd.s32 s7, s17;
	s13 =	sshll.u32 s13, $0x12  }
0x1c: {  	[tilespmem:s16+$0x0 ss:$0x81] =	vst.msk $0xffff, v63;
	s14 =	sadd.s32 s14, s17;
	s13 =	sor.u32 $0x400, s13  }
0x1d: {  	[hbm4b:s14+s13] =	stream.strided.scatter [tilespmem:s15], [sflag:$0x2], $0x4000, s10, s13, $0x20;
	[tilespmem:$0x10100] =	vst v63  }
.LBB1_5:
0x1e: {  	s15 =	sadd.s32 $0x200, s11  }
0x1f: {  	p2 =	sgt.s32 s15, $0x1869F  }
0x20: {  	s15 =	smov.u32 @p2 s4;
	p2 =	sne.s32 s12, s9  }
.Ltmp1:
0x21: {  	p1 =	slt.u32 s12, $0x2;
	(pc) =	sbr.rel @!p2 .LBB1_6-.Ltmp1, $4  }
0x22: {  	s14 =	simm.s32 @!p1 $0x2  }
0x23: {  	s16 =	sadd.s32 $0x1, s12;
	s13 =	smov.u32 s11;
	_ =	swait.ge @!p1 [sflag:s14], $0x4000  }
0x24: {  	p0 =	por !p0, !p0;
	s12 =	smov.u32 s16;
	[sflag:s14] =	ssyncset.done @!p1 $0x0  }
0x25: {  	s11 =	smov.u32 s15;
	[sflag:s14] =	ssyncadd.s32 @!p1 $0xFFFFC000;
	s14 =	smov.u32 s3  }
.LBB1_1:
0x26: {  	p1 =	sge.u32 s12, s6  }
0x27: {  	s15 =	sshll.u32 @!p1 s11, $0xA  }
0x28: {  	s15 =	sand.u32 @!p1 $0xFFFFE000, s15  }
0x29: {  	s15 =	sor.u32 @!p1 s8, s15  }
0x2a: {  	s17 =	smov.u32 s11;
	p2 =	sgt.s32 @!p1 s11, $0x18620;
	s15 =	sshrl.u32 @!p1 s15, $0xA  }
0x2b: {  	s18 =	sshra.s32 @!p1 s11, $0x1F;
	p2 =	por !p2, p1;
	s16 =	smulhi.u32 @!p1 $0x53E2D7, s15  }
0x2c: {  	s31 =	sadd.s32 $0xFFFFFFFF, s12;
	s18 =	sand.u32 @!p1 s18, s11;
	s17 =	simm.s32 @p2 $0x18620  }
0x2d: {  	s19 =	sxor.u32 @!p1 $0xFFFFFFFF, s12;
	s17 =	ssub.s32 @!p1 s17, s18;
	s16 =	sshrl.u32 @!p1 s16, $0x7  }
0x2e: {  	s18 =	sshll.u32 @!p1 s19, $0xE;
	s17 =	sadd.s32 @!p1 $0xFFFE79E0, s17;
	s16 =	smul.u32 @!p1 $0x186A0, s16  }
0x2f: {  	s19 =	simm.s32 @!p1 $0x2000;
	s18 =	sand.u32 @!p1 $0x4000, s18;
	p2 =	sgt.s32 @!p1 s17, $0x7F  }
0x30: {  	s15 =	ssub.s32 @!p1 s15, s16;
	s16 =	sshll.u32 @!p1 s17, $0x7;
	s17 =	sshll.u32 @!p1 s11, $0x4  }
0x31: {  	p2 =	por !p2, p1;
	s16 =	ssub.s32 @!p1 $0x4000, s16;
	s17 =	sand.u32 @!p1 $0x70, s17  }
0x32: {  	s15 =	sshll.u32 @!p1 s15, $0x7;
	s16 =	sand.u32 @!p1 $0x3FFFFF80, s16;
	s17 =	sadd.s32 @!p1 s2, s17  }
0x33: {  	s16 =	simm.s32 @!p2 $0x0;
	s15 =	sadd.s32 @!p1 s15, s17;
	s17 =	simm.s32 @!p1 $0x400  }
0x34: {  	[tilespmem:s18], [sflag:$0x1] =	stream.strided.gather @!p1 [hbm4b:s15+s17], s16, s19, s17, $0x38;
	[tilespmem:$0x10100] =	vst v63  }
0x35: {  	p1 =	sge.u32 s31, s6  }
.Ltmp2:
0x36: {  	_ = 	snop;
	(pc) =	sbr.rel @p1 .LBB1_5-.Ltmp2, $1  }
0x37: {  	_ =	sdelay $0x3  }
0x38: {  	p1 =	sgt.s32 s13, $0x18620;
	s15 =	smov.u32 s13;
	s16 =	sshra.s32 s13, $0x1F  }
0x39: {  	s15 =	simm.s32 @!p1 $0x18620;
	s16 =	sand.u32 s16, s13  }
0x3a: {  	s15 =	ssub.s32 s15, s16  }
0x3b: {  	s15 =	sadd.s32 $0xFFFE79E0, s15  }
0x3c: {  	s29 =	sshll.u32 s15, $0x7  }
0x3d: {  	s16 =	ssub.s32 $0x4000, s29  }
0x3e: {  	p1 =	sgt.s32 s15, $0x7F;
	s15 =	sand.u32 $0x3FFFFF80, s16  }
0x3f: {  	s16 =	simm.s32 $0x1;
	s15 =	simm.s32 @p1 $0x0  }
0x40: {  	s16 =	simm.s32 @!p0 $0x0;
	_ =	swait.ge [sflag:s5], s15  }
0x41: {  	s17 =	sshll.u32 s16, $0xE;
	s15 =	ssub.s32 $0x0, s15;
	[sflag:s5] =	ssyncset.done $0x0  }
0x42: {  	s18 =	sor.u32 $0x40, s17;
	[sflag:s5] =	ssyncadd.s32 s15  }
0x43: {  	s30 =	smul.u32 $0x10200, s16;
	v0 =	vld [tilespmem:s18+$0x30]  }
0x44: {  	v1 =	vld [tilespmem:s18+$0xFFFFFFD0]  }
0x45: {  	s15 =	sshrl.u32 s30, $0x2;
	v5 =	vld [tilespmem:s18+$0xFFFFFFE0]  }
0x46: {  	s16 =	sor.u32 $0x8000, s15;
	v6 =	vld [tilespmem:s18+$0xFFFFFFF0]  }
0x47: {  	s31 =	sand.u32 $0x1, s12;
	v4 =	vld [tilespmem:s18+$0x0];
	s17 =	sadd.s32 $0x0, s16  }
0x48: {  	s15 =	smul.u32 $0x10200, s31;
	v3 =	vld [tilespmem:s18+$0x10];
	[tilespmem:s17+$0x3870 ss:$0x81] =	vst.msk $0xffff, v0  }
0x49: {  	v2 =	vld [tilespmem:s18+$0x20];
	[tilespmem:s17+$0x810 ss:$0x81] =	vst.msk $0xffff, v1  }
0x4a: {  	s15 =	sshrl.u32 s15, $0x2;
	v0 =	vld [tilespmem:s18+$0xFFFFFFC0];
	[tilespmem:s17+$0x1020 ss:$0x81] =	vst.msk $0xffff, v5;
	s18 =	sadd.s32 $0x80, s18  }
0x4b: {  	s19 =	simm.s32 $0x4;
	s20 =	simm.s32 $0x8;
	s15 =	sor.u32 $0x8000, s15;
	[tilespmem:s17+$0x1830 ss:$0x81] =	vst.msk $0xffff, v6;
	v1 =	vld [tilespmem:s18+$0x30]  }
.LBB1_3:
0x4c: {  	p1 =	sne.s32 s20, $0x1FC;
	v5 =	vld [tilespmem:s18+$0xFFFFFFD0];
	[tilespmem:s17+$0x2040 ss:$0x81] =	vst.msk $0xffff, v4  }
0x4d: {  	v6 =	vld [tilespmem:s18+$0xFFFFFFE0];
	[tilespmem:s17+$0x2850 ss:$0x81] =	vst.msk $0xffff, v3  }
0x4e: {  	s21 =	sshra.s32 s19, $0x2;
	s19 =	smov.u32 s20;
	v7 =	vld [tilespmem:s18+$0xFFFFFFF0];
	[tilespmem:s17+$0x3060 ss:$0x81] =	vst.msk $0xffff, v2  }
.Ltmp3:
0x4f: {  	v4 =	vld [tilespmem:s18+$0x0];
	[tilespmem:s17+$0x0 ss:$0x81] =	vst.msk $0xffff, v0;
	s17 =	sadd.s32 s21, s16;
	(pc) =	sbr.rel @p1 .LBB1_3-.Ltmp3, $4  }
0x50: {  	v3 =	vld [tilespmem:s18+$0x10];
	[tilespmem:s17+$0x3870 ss:$0x81] =	vst.msk $0xffff, v1  }
0x51: {  	[tilespmem:s17+$0x810 ss:$0x81] =	vst.msk $0xffff, v5;
	v2 =	vld [tilespmem:s18+$0x20]  }
0x52: {  	v0 =	vld [tilespmem:s18+$0xFFFFFFC0];
	[tilespmem:s17+$0x1020 ss:$0x81] =	vst.msk $0xffff, v6;
	s18 =	sadd.s32 $0x80, s18  }
0x53: {  	s20 =	sadd.s32 $0x4, s20;
	v1 =	vld [tilespmem:s18+$0x30];
	[tilespmem:s17+$0x1830 ss:$0x81] =	vst.msk $0xffff, v7  }
.Ltmp4:
0x54: {  	_ = 	snop;
	(pc) =	sbr.rel .LBB1_4-.Ltmp4, $1  }
0x55: {  	_ =	sdelay $0x3  }
.LBB1_6:
0x56: {  	_ =	sfence.sel $0x180000  }
0x57: {  	s2 =	simm.s32 $0x1;
	[bflag:$0x0] =	sbarrier.arrive $0xFFFF  }
0x58: {  	s31 =	simm.s32 $0x2;
	[sflag:s2] =	ssyncpa.u1 $0x1  }
0x59: {  	[sflag:s31] =	ssyncpa.u1 $0x1  }
0x5a: {  	p0 =	sne.s32 s0, $0x0;
	_ =	strace $0x90000047  }
0x5b: {  	s0 =	sadd.s32 @!p0 $0x100000, s1;
	[bflag:$0x2] =	sbarrier.arrive $0xFFFF  }
0x5c: {  	[sflag:s0] =	ssyncadd.tile.s32 @!p0 $0x1;
	_ =	shalt  }
.Lfunc_end1:
_tile_overlayer_lowered:
.L_overlay_start_2:
0x5d: {  	(tag) =	ssettag $0x2  }
0x5e: {  	s0 =	rddreg [dreg:$0x0];
	s2 =	stileid.u32  }
0x5f: {  	s1 =	rddreg [dreg:$0x1];
	p0 =	sne.s32 s2, $0x0  }
0x60: {  	s3 =	rddreg [dreg:$0x2];
	[bflag:$0x3] =	sbarrier.arrive $0xFFFF;
	s2 =	simm.s32 @!p0 $0x1C01  }
0x61: {  	[timem:s3], [sflag:s2] =	dma.local @!p0 [hbm:s0], s1  }
0x62: {  	s0 =	simm.s32 @!p0 $0x1  }
0x63: {  	_ =	swait.ge @!p0 [sflag:s0], s1  }
0x64: {  	s1 =	ssub.s32 @!p0 $0x0, s1;
	[sflag:s0] =	ssyncset.done @!p0 $0x0  }
0x65: {  	[sflag:s0] =	ssyncadd.s32 @!p0 s1  }
0x66: {  	[bflag:$0x3] =	sbarrier.arrive $0xFFFF  }
0x67: {  	_ =	shalt  }

// kernel: sparse-core-data-format-call.cloned.1.call-start
scs
called_computation_lowered:
.L_overlay_start_0:
0x0: {  	s1 =	sld [smem:$0x3FD9]  }
0x1: {  	s2 =	sld [smem:$0x3FFE];
	_ =	sdelay $0x1  }
0x2: {  	s3 =	srdreg.scid  }
0x3: {  	s0 =	sand.u32 $0x1, s3  }
0x4: {  	s17 =	sshll.u32 s0, $0xA;
	s1 =	sadd.s32 s2, s1  }
0x5: {  	s1 =	sadd.s32 s1, s17  }
0x6: {  	[smem:$0x3FC5] =	sst s1  }
0x7: {  	_ = 	snop  }
0x8: {  	(tm) =	ssettm $0x1  }
0x9: {  	s18 =	sld [smem:$0x3FFB];
	_ =	sdelay $0x3  }
0xa: {  	_ =	strace s18  }
0xb: {  	s1 =	sld [smem:$0x3FFC];
	_ =	sdelay $0x3  }
0xc: {  	_ =	strace s1  }
0xd: {  	s1 =	sld [smem:$0x3FFD];
	_ =	sdelay $0x3  }
0xe: {  	_ =	strace s1  }
0xf: {  	_ =	strace $0x8FFFFFFF  }
0x10: {  	s19 =	sld [smem:$0x3FDB];
	_ =	sdelay $0x1  }
0x11: {  	s20 =	simm.s32 $_scs_section_size  }
0x12: {  	s4 =	simm.s32 $_size__tile_overlayer_lowered;
	s5 =	simm.s32 $_tile_overlayer_lowered  }
0x13: {  	s23 =	simm.s32 $0x1BFF;
	s22 =	sshll.u32 s5, $0x1;
	s1 =	sadd.s32 s20, s19  }
0x14: {  	s6 =	simm.s32 $0x0;
	s21 =	sshll.u32 s4, $0x1;
	s4 =	sadd.s32 s22, s1  }
0x15: {  	[timem:s6], [sflag:s23] =	dma.local [hbm:s4], s21  }
0x16: {  	_ =	swait.ge [sflag:s23], s21  }
0x17: {  	s2 =	ssub.s32 $0x0, s21;
	[sflag:s23] =	ssyncset.done $0x0  }
0x18: {  	[sflag:s23] =	ssyncadd.s32 s2;
	_ =	sdelay $0x1  }
0x19: {  	s24 =	simm.s32 $0x1B8B  }
0x1a: {  	_ =	swait.ge [sflag:s24], $0x1  }
0x1b: {  	[sflag:s24] =	ssyncset.done $0x0  }
0x1c: {  	s26 =	simm.s32 $0x1B8E;
	s25 =	sld [smem:$0x3FFE];
	[sflag:s24] =	ssyncadd.s32 $0xFFFFFFFF  }
0x1d: {  	s27 =	simm.s32 $execute0_lowered;
	[smem:$0x3FD2] =	sst s26  }
0x1e: {  	s4 =	sshll.u32 s27, $0x1;
	_ =	strace $0x80000049;
	[dreg:$0x1] =	wrdreg $0xFFFFFFFF  }
0x1f: {  	s28 =	simm.s32 $_size_execute0_lowered;
	s1 =	sadd.s32 s1, s4;
	[dreg:$0x0] =	wrdreg $0x0  }
0x20: {  	s4 =	sshll.u32 s28, $0x1;
	[dreg:$0x2] =	wrdreg s1  }
0x21: {  	[dreg:$0x3] =	wrdreg s4  }
0x22: {  	[dreg:$0x4] =	wrdreg $0xC0  }
0x23: {  	_ =	task [dreg:s6], $0x5FFFF  }
0x24: {  	[dreg:$0x1] =	wrdreg $0xFFFFFFFF  }
0x25: {  	[dreg:$0x0] =	wrdreg $0x60  }
0x26: {  	[dreg:$0x2] =	wrdreg s25  }
0x27: {  	[dreg:$0x3] =	wrdreg $0x9  }
0x28: {  	_ =	task.clear_ibuf [dreg:s6], $0x4FFFF;
	_ =	strace $0x90000049  }
0x29: {  	s29 =	simm.s32 $0x9;
	_ =	strace $0x8000004B  }
0x2a: {  	_ =	swait.ge [sflag:s29], $0x1  }
0x2b: {  	[sflag:s29] =	ssyncadd.s32 $0xFFFFFFFF  }
0x2c: {  	_ =	strace $0x9000004B  }
0x2d: {  	_ =	sfence  }
0x2e: {  	s30 =	sld [smem:$0x0];
	_ =	sdelay $0x2  }
0x2f: {  	s31 =	sshll.u32 s3, $0xD;
	s3 =	sshrl.u32 s3, $0x2  }
0x30: {  	s2 =	sand.u32 $0x4000, s31;
	s1 =	sadd.s32 s3, s30  }
0x31: {  	s0 =	sor.u32 s2, s0;
	s1 =	sshll.u32 s1, $0x11  }
0x32: {  	s0 =	sor.u32 s1, s0  }
0x33: {  	s0 =	sadd.s32 $0x8F2B, s0  }
0x34: {  	[sflag:s0] =	ssyncadd.remote.s32 $0x1  }
0x35: {  	_ =	sfence.sel $0xFFFF  }
0x36: {  	[dreg:$0x0] =	wrdreg $0xFFFFFFFF;
	(pc) =	sbr.abs _section_cstart, $3  }
0x37: {  	[dreg:$0x1] =	wrdreg $0xFFFFFFFF  }
0x38: {  	_ =	task.clear_ibuf [dreg:s6], $0x2FFFF;
	_ =	strace $0x9FFFFFFF  }
0x39: {  	(tm) =	ssettm $0x7FFFFFFF  }
tec
execute0_lowered:
.L_overlay_start_1:
0x0: {  	(tag) =	ssettag $0x1  }
0x1: {  	s1 =	rddreg [dreg:$0x0]  }
0x2: {  	s0 =	rddreg [dreg:$0x1]  }
0x3: {  	_ =	strace $0x8000004A;
	s4 =	srdreg.scid;
	s6 =	simm.s32 $0x2  }
0x4: {  	s11 =	simm.s32 $0x0;
	p0 =	por $0x0, $0x0;
	s7 =	simm.s32 $0x19000  }
.Ltmp0:
0x5: {  	s12 =	simm.s32 $0x0;
	s9 =	simm.s32 $0x0;
	(pc) =	sbr.rel .LBB1_1-.Ltmp0, $4  }
0x6: {  	s2 =	sadd.s32 $0xC38C00, s1;
	s3 =	sadd.s32 $0x18B8C00, s1;
	s5 =	sshll.u32 s4, $0x4  }
0x7: {  	s1 =	stileid.u32;
	s4 =	simm.s32 $0x1;
	s5 =	sand.u32 $0x10, s5  }
0x8: {  	s8 =	simm.s32 $0x0;
	[sflag:s4] =	ssyncpa.u1 $0x0;
	s5 =	sor.u32 s1, s5  }
0x9: {  	[sflag:s6] =	ssyncpa.u1 $0x0;
	s6 =	simm.s32 $0x800;
	s10 =	smov.u32 s5  }
.LBB1_7:
0xa: {  	s13 =	sadd.s32 $0x10, s9  }
0xb: {  	s11 =	sadd.s32 $0x20, s10;
	s15 =	smov.u32 s10;
	p2 =	sgt.s32 s13, $0x31F  }
0xc: {  	p1 =	slt.u32 s8, $0x2;
	s15 =	smov.u32 @p2 s11  }
0xd: {  	s8 =	sadd.s32 $0x1, s8;
	s13 =	simm.s32 @p2 $0x0;
	p2 =	sgt.s32 s15, $0x7F  }
0xe: {  	s15 =	smov.u32 @p2 s5;
	p2 =	sne.s32 s8, $0xCA  }
.Ltmp1:
0xf: {  	_ = 	snop;
	(pc) =	sbr.rel @!p2 .LBB1_8-.Ltmp1, $4  }
0x10: {  	s14 =	simm.s32 @!p1 $0x2  }
0x11: {  	s12 =	smov.u32 s10;
	_ =	swait.ge @!p1 [sflag:s14], $0x4000  }
0x12: {  	p0 =	por !p0, !p0;
	s11 =	smov.u32 s9;
	[sflag:s14] =	ssyncset.done @!p1 $0x0  }
0x13: {  	s9 =	smov.u32 s13;
	[sflag:s14] =	ssyncadd.s32 @!p1 $0xFFFFC000;
	s10 =	smov.u32 s15  }
.LBB1_1:
0x14: {  	p1 =	sgt.u32 s8, $0xC7  }
0x15: {  	s13 =	smul.u32 @!p1 $0x19000, s10  }
0x16: {  	s14 =	sxor.u32 @!p1 $0xFFFFFFFF, s8  }
0x17: {  	s15 =	sshll.u32 @!p1 s9, $0x7;
	s14 =	sshll.u32 @!p1 s14, $0xE;
	s13 =	sadd.s32 @!p1 s2, s13  }
0x18: {  	s14 =	sand.u32 @!p1 $0x4000, s14;
	s13 =	sadd.s32 @!p1 s15, s13;
	s15 =	simm.s32 @!p1 $0x0  }
0x19: {  	[tilespmem:s14], [sflag:$0x1] =	stream.linear.gather @!p1 [hbm4b:s13+s15], $0x4000, $0x38;
	[tilespmem:$0x10000] =	vst v63  }
0x1a: {  	p1 =	seq.s32 s8, $0x0  }
0x1b: {  	p2 =	seq.s32 @!p1 s8, $0xC9  }
0x1c: {  	p1 =	por p1, p2  }
.Ltmp2:
0x1d: {  	_ = 	snop;
	(pc) =	sbr.rel @p1 .LBB1_7-.Ltmp2, $1  }
0x1e: {  	_ =	sdelay $0x3  }
0x1f: {  	s13 =	simm.s32 $0x1;
	_ =	swait.ge [sflag:s4], $0x4000;
	s16 =	sshll.u32 s8, $0xE  }
0x20: {  	s13 =	simm.s32 @!p0 $0x0;
	[sflag:s4] =	ssyncset.done $0x0;
	s31 =	sand.u32 $0x4000, s16  }
0x21: {  	s16 =	simm.s32 $0x0;
	s13 =	sshll.u32 s13, $0xE;
	[sflag:s4] =	ssyncadd.s32 $0xFFFFC000  }
0x22: {  	s14 =	sor.u32 $0x8040, s13;
	s15 =	sor.u32 $0x40, s13;
	s13 =	sor.u32 $0x8000, s31  }
.LBB1_3:
0x23: {  	v0 =	vmov s15;
	_ =	sdelay $0x3  }
0x24: {  	s18 =	simm.s32 $0x0  }
0x25: {  	v6 =	vld.idx.msk [tilespmem:v0+s18+$0x30 ss:$0x1], $0xffff  }
0x26: {  	v7 =	vld.idx.msk [tilespmem:v0+s18+$0xFFFFFFC0 ss:$0x1], $0xffff  }
0x27: {  	v5 =	vld.idx.msk [tilespmem:v0+s18+$0xFFFFFFD0 ss:$0x1], $0xffff  }
0x28: {  	v4 =	vld.idx.msk [tilespmem:v0+s18+$0xFFFFFFE0 ss:$0x1], $0xffff  }
0x29: {  	v3 =	vld.idx.msk [tilespmem:v0+s18+$0xFFFFFFF0 ss:$0x1], $0xffff  }
0x2a: {  	v1 =	vld.idx.msk [tilespmem:v0+s18+$0x0 ss:$0x1], $0xffff  }
0x2b: {  	v2 =	vld.idx.msk [tilespmem:v0+s18+$0x10 ss:$0x1], $0xffff;
	[tilespmem:s14+$0x30] =	vst v6  }
0x2c: {  	s17 =	simm.s32 $0x80;
	s19 =	simm.s32 $0x400;
	[tilespmem:s14+$0xFFFFFFC0] =	vst v7;
	v6 =	vld.idx.msk [tilespmem:v0+s18+$0x20 ss:$0x1], $0xffff;
	s18 =	smov.u32 s14  }
.LBB1_4:
0x2d: {  	p1 =	sne.s32 s19, $0xE00;
	v7 =	vld.idx.msk [tilespmem:v0+s17+$0x30 ss:$0x1], $0xffff;
	[tilespmem:s18+$0xFFFFFFD0] =	vst v5  }
0x2e: {  	v8 =	vld.idx.msk [tilespmem:v0+s17+$0xFFFFFFC0 ss:$0x1], $0xffff;
	[tilespmem:s18+$0xFFFFFFE0] =	vst v4  }
0x2f: {  	v5 =	vld.idx.msk [tilespmem:v0+s17+$0xFFFFFFD0 ss:$0x1], $0xffff;
	[tilespmem:s18+$0xFFFFFFF0] =	vst v3  }
.Ltmp3:
0x30: {  	v4 =	vld.idx.msk [tilespmem:v0+s17+$0xFFFFFFE0 ss:$0x1], $0xffff;
	[tilespmem:s18+$0x0] =	vst v1;
	(pc) =	sbr.rel @p1 .LBB1_4-.Ltmp3, $4  }
0x31: {  	v3 =	vld.idx.msk [tilespmem:v0+s17+$0xFFFFFFF0 ss:$0x1], $0xffff;
	[tilespmem:s18+$0x10] =	vst v2  }
0x32: {  	v1 =	vld.idx.msk [tilespmem:v0+s17+$0x0 ss:$0x1], $0xffff;
	[tilespmem:s18+$0x20] =	vst v6;
	s18 =	sadd.s32 $0x800, s18  }
0x33: {  	v2 =	vld.idx.msk [tilespmem:v0+s17+$0x10 ss:$0x1], $0xffff;
	[tilespmem:s18+$0x30] =	vst v7  }
0x34: {  	[tilespmem:s18+$0xFFFFFFC0] =	vst v8;
	v6 =	vld.idx.msk [tilespmem:v0+s17+$0x20 ss:$0x1], $0xffff;
	s17 =	sshra.s32 s19, $0x2;
	s19 =	sadd.s32 $0x200, s19  }
0x35: {  	_ =	sdelay $0x2  }
0x36: {  	[tilespmem:s18+$0xFFFFFFD0] =	vst v5  }
0x37: {  	v56 =	vld.idx.msk [tilespmem:v0+s17+$0x30 ss:$0x1], $0xffff;
	[tilespmem:s18+$0xFFFFFFE0] =	vst v4  }
0x38: {  	v57 =	vld.idx.msk [tilespmem:v0+s17+$0xFFFFFFC0 ss:$0x1], $0xffff;
	[tilespmem:s18+$0xFFFFFFF0] =	vst v3  }
0x39: {  	v58 =	vld.idx.msk [tilespmem:v0+s17+$0xFFFFFFD0 ss:$0x1], $0xffff;
	[tilespmem:s18+$0x0] =	vst v1  }
0x3a: {  	v59 =	vld.idx.msk [tilespmem:v0+s17+$0xFFFFFFE0 ss:$0x1], $0xffff;
	[tilespmem:s18+$0x10] =	vst v2  }
0x3b: {  	v60 =	vld.idx.msk [tilespmem:v0+s17+$0xFFFFFFF0 ss:$0x1], $0xffff;
	s31 =	sadd.s32 $0x800, s18;
	[tilespmem:s18+$0x20] =	vst v6  }
0x3c: {  	v61 =	vld.idx.msk [tilespmem:v0+s17+$0x0 ss:$0x1], $0xffff;
	[tilespmem:s31+$0x30] =	vst v56  }
0x3d: {  	v62 =	vld.idx.msk [tilespmem:v0+s17+$0x10 ss:$0x1], $0xffff;
	s16 =	sadd.s32 $0x1, s16;
	[tilespmem:s31+$0xFFFFFFC0] =	vst v57  }
0x3e: {  	v63 =	vld.idx.msk [tilespmem:v0+s17+$0x20 ss:$0x1], $0xffff;
	p1 =	sne.s32 s16, $0x10;
	[tilespmem:s31+$0xFFFFFFD0] =	vst v58  }
.Ltmp4:
0x3f: {  	[tilespmem:s31+$0xFFFFFFE0] =	vst v59;
	(pc) =	sbr.rel @p1 .LBB1_3-.Ltmp4, $4  }
0x40: {  	[tilespmem:s31+$0xFFFFFFF0] =	vst v60  }
0x41: {  	[tilespmem:s31+$0x0] =	vst v61  }
0x42: {  	[tilespmem:s31+$0x10] =	vst v62  }
0x43: {  	s14 =	sadd.s32 $0x80, s14;
	s15 =	sadd.s32 $0x400, s15;
	[tilespmem:s31+$0x20] =	vst v63  }
0x44: {  	s11 =	sand.u32 $0x1FFFFFF, s11  }
0x45: {  	s14 =	smulhi.u32 $0x147AE15, s11;
	_ =	sdelay $0x1  }
0x46: {  	s12 =	smul.u32 $0x19000, s12;
	s14 =	sshrl.u32 s14, $0x2  }
0x47: {  	s14 =	smul.u32 $0x320, s14  }
.Ltmp5:
0x48: {  	_ = 	snop;
	(pc) =	sbr.rel .LBB1_7-.Ltmp5, $4  }
0x49: {  	s11 =	ssub.s32 s11, s14  }
0x4a: {  	s12 =	sadd.s32 s3, s12;
	s11 =	sshll.u32 s11, $0x4  }
0x4b: {  	s11 =	sadd.s32 s11, s12  }
0x4c: {  	[hbm4b:s11+s6] =	stream.strided.scatter [tilespmem:s13], [sflag:$0x2], $0x4000, s7, s6, $0x38;
	[tilespmem:$0x10000] =	vst v63  }
.LBB1_8:
0x4d: {  	_ =	sfence.sel $0x180000  }
0x4e: {  	s2 =	simm.s32 $0x1;
	[bflag:$0x0] =	sbarrier.arrive $0xFFFF  }
0x4f: {  	s31 =	simm.s32 $0x2;
	[sflag:s2] =	ssyncpa.u1 $0x1  }
0x50: {  	[sflag:s31] =	ssyncpa.u1 $0x1  }
0x51: {  	p0 =	sne.s32 s1, $0x0;
	_ =	strace $0x9000004A  }
0x52: {  	s0 =	sadd.s32 @!p0 $0x100000, s0;
	[bflag:$0x2] =	sbarrier.arrive $0xFFFF  }
0x53: {  	[sflag:s0] =	ssyncadd.tile.s32 @!p0 $0x1;
	_ =	shalt  }
.Lfunc_end1:
_tile_overlayer_lowered:
.L_overlay_start_2:
0x54: {  	(tag) =	ssettag $0x2  }
0x55: {  	s0 =	rddreg [dreg:$0x0];
	s2 =	stileid.u32  }
0x56: {  	s1 =	rddreg [dreg:$0x1];
	p0 =	sne.s32 s2, $0x0  }
0x57: {  	s3 =	rddreg [dreg:$0x2];
	[bflag:$0x3] =	sbarrier.arrive $0xFFFF;
	s2 =	simm.s32 @!p0 $0x1C01  }
0x58: {  	[timem:s3], [sflag:s2] =	dma.local @!p0 [hbm:s0], s1  }
0x59: {  	s0 =	simm.s32 @!p0 $0x1  }
0x5a: {  	_ =	swait.ge @!p0 [sflag:s0], s1  }
0x5b: {  	s1 =	ssub.s32 @!p0 $0x0, s1;
	[sflag:s0] =	ssyncset.done @!p0 $0x0  }
0x5c: {  	[sflag:s0] =	ssyncadd.s32 @!p0 s1  }
0x5d: {  	[bflag:$0x3] =	sbarrier.arrive $0xFFFF  }
0x5e: {  	_ =	shalt  }

</sc_bundles>
